<compile_context>
chip_gen: v7x
topology: tpu7x:2x2x1
jax: 0.10.2.dev20260603
libtpu: 0.0.44.dev20260713+nightly
codegen_flags: <defaults>
</compile_context>

<pallas_src>
import functools

import jax
import jax.numpy as jnp
from jax import lax
from jax.experimental import pallas as pl
from jax.experimental.pallas import tpu as pltpu
from jax.experimental.pallas import tpu_sc as plsc

N_NODES = 10000
N_EDGES = 320000
N_GRAPHS = 64
D = 128
DH = D // 2

EPS = N_EDGES // 16
CHUNK = 128
NBUF = 4
NCH = EPS // CHUNK + (EPS % CHUNK > 0)
NCH += (-NCH) % NBUF
EPT_PAD = NCH * CHUNK
ACC_R = 10112
STRIPE = ACC_R // 16
DUMMY = N_NODES


def _sc_segment_sum(src3d, dst3d, h_split):
    mesh = plsc.VectorSubcoreMesh(core_axis_name="c", subcore_axis_name="s")

    @functools.partial(
        pl.kernel,
        mesh=mesh,
        compiler_params=pltpu.CompilerParams(use_tc_tiling_on_sc=False),
        out_type=jax.ShapeDtypeStruct((2 * ACC_R, DH), jnp.float32),
        scratch_types=[
            pltpu.VMEM((NCH, CHUNK), jnp.int32),
            pltpu.VMEM((NCH, CHUNK), jnp.int32),
            *[pltpu.VMEM((CHUNK, DH), jnp.float32) for _ in range(NBUF)],
            pltpu.VMEM_SHARED((ACC_R, DH), jnp.float32),
            *[pltpu.SemaphoreType.DMA for _ in range(NBUF)],
        ],
    )
    def seg_kernel(src_hbm, dst_hbm, h_hbm, out_hbm, src_v, dst_v, *rest):
        stages = rest[:NBUF]
        acc = rest[NBUF]
        sems = rest[NBUF + 1:]
        stage = stages[0]
        c = lax.axis_index("c")
        s = lax.axis_index("s")

        pltpu.sync_copy(src_hbm.at[s], src_v)
        pltpu.sync_copy(dst_hbm.at[s], dst_v)
        coff = jnp.full((16,), c * N_NODES, dtype=jnp.int32)

        def shift(j, _):
            for k in range(CHUNK // 16):
                sl = pl.ds(16 * k, 16)
                src_v[j, sl] = src_v[j, sl] + coff
            return 0
        lax.fori_loop(0, NCH, shift, 0)

        def zrow(r, _):
            for k in range(DH // 16):
                stage[r, pl.ds(16 * k, 16)] = jnp.zeros((16,), jnp.float32)
            return 0
        lax.fori_loop(0, CHUNK, zrow, 0)

        base = s * STRIPE
        def zc(i, _):
            pltpu.sync_copy(stage, acc.at[pl.ds(base + i * CHUNK, CHUNK)])
            return 0
        lax.fori_loop(0, STRIPE // CHUNK, zc, 0)
        rem = STRIPE % CHUNK
        if rem:
            pltpu.sync_copy(stage.at[pl.ds(0, rem)],
                            acc.at[pl.ds(base + (STRIPE // CHUNK) * CHUNK, rem)])
        plsc.subcore_barrier()

        for b in range(NBUF):
            pltpu.async_copy(h_hbm.at[src_v.at[b]], stages[b], sems[b])

        def group(g, _):
            for b in range(NBUF):
                j = g * NBUF + b
                pltpu.make_async_copy(h_hbm.at[src_v.at[j]], stages[b],
                                      sems[b]).wait()
                pltpu.sync_copy(stages[b], acc.at[dst_v.at[j]], add=True)
                nxt = j + NBUF

                @pl.when(nxt < NCH)
                def _():
                    pltpu.async_copy(h_hbm.at[src_v.at[nxt]], stages[b],
                                     sems[b])
            return 0
        lax.fori_loop(0, NCH // NBUF, group, 0)
        plsc.subcore_barrier()

        out_base = c * ACC_R + base
        def ec(i, _):
            pltpu.sync_copy(acc.at[pl.ds(base + i * CHUNK, CHUNK)], stage)
            pltpu.sync_copy(stage, out_hbm.at[pl.ds(out_base + i * CHUNK, CHUNK)])
            return 0
        lax.fori_loop(0, STRIPE // CHUNK, ec, 0)
        if rem:
            off = (STRIPE // CHUNK) * CHUNK
            pltpu.sync_copy(acc.at[pl.ds(base + off, rem)], stage.at[pl.ds(0, rem)])
            pltpu.sync_copy(stage.at[pl.ds(0, rem)],
                            out_hbm.at[pl.ds(out_base + off, rem)])

    return seg_kernel(src3d, dst3d, h_split)


def _cat(p_ref, h_ref):
    agg = jnp.concatenate(
        [p_ref[0:N_NODES, :], p_ref[ACC_R:ACC_R + N_NODES, :]], axis=1)
    h = jnp.concatenate(
        [h_ref[0:N_NODES, :], h_ref[N_NODES:2 * N_NODES, :]], axis=1)
    return agg + h


def _mlp_body(p_ref, h_ref, wa_ref, ba_ref, wb_ref, bb_ref, o_ref):
    z = _cat(p_ref, h_ref)
    z = jnp.maximum(
        jnp.dot(z, wa_ref[...], preferred_element_type=jnp.float32) + ba_ref[...],
        0.0)
    z = jnp.dot(z, wb_ref[...], preferred_element_type=jnp.float32) + bb_ref[...]
    z = jnp.maximum(z, 0.0)
    o_ref[0:N_NODES, :] = z[:, 0:DH]
    o_ref[N_NODES:2 * N_NODES, :] = z[:, DH:D]


def _final_body(p_ref, h_ref, wa_ref, ba_ref, wb_ref, bb_ref, w_ref,
                bcol_ref, brow_ref, permoh_ref, o_ref):
    z = _cat(p_ref, h_ref)
    z = jnp.maximum(
        jnp.dot(z, wa_ref[...], preferred_element_type=jnp.float32) + ba_ref[...],
        0.0)
    emb = jnp.dot(z, wb_ref[...], preferred_element_type=jnp.float32) + bb_ref[...]

    iota_n = lax.broadcasted_iota(jnp.int32, (N_NODES, N_GRAPHS), 1)
    oh = (bcol_ref[...] == iota_n).astype(jnp.float32)
    iota_g = lax.broadcasted_iota(jnp.int32, (N_GRAPHS, N_NODES), 0)
    oh_t = (brow_ref[...] == iota_g).astype(jnp.float32)

    sums = jnp.dot(oh_t, emb, preferred_element_type=jnp.float32)
    cnts = jnp.sum(oh_t, axis=1, keepdims=True)
    mean = sums / jnp.maximum(cnts, 1.0)
    summary = 1.0 / (1.0 + jnp.exp(-mean))
    neg_summary = jnp.dot(permoh_ref[...], summary,
                          preferred_element_type=jnp.float32)

    zw = jnp.dot(emb, w_ref[...], preferred_element_type=jnp.float32)
    s_b = jnp.dot(oh, summary, preferred_element_type=jnp.float32)
    ns_b = jnp.dot(oh, neg_summary, preferred_element_type=jnp.float32)

    pos = 1.0 / (1.0 + jnp.exp(-jnp.sum(zw * s_b, axis=1, keepdims=True)))
    neg = 1.0 / (1.0 + jnp.exp(-jnp.sum(zw * ns_b, axis=1, keepdims=True)))
    pos_sum = jnp.sum(jnp.log(jnp.maximum(pos + 1e-15, 1e-15)))
    neg_sum = jnp.sum(jnp.log(jnp.maximum(1.0 - neg + 1e-15, 1e-15)))
    total = -(pos_sum + neg_sum) / N_NODES
    o_ref[...] = jnp.broadcast_to(total, (1, 1))


def kernel(x, edge_index, batch, W0_1, b0_1, W0_2, b0_2, W1_1, b1_1, W1_2, b1_2, w):
    src = edge_index[0].reshape(16, EPS)
    dst = edge_index[1].reshape(16, EPS)
    pad = ((0, 0), (0, EPT_PAD - EPS))
    src3d = jnp.pad(src, pad, constant_values=0).reshape(16, NCH, CHUNK)
    dst3d = jnp.pad(dst, pad, constant_values=DUMMY).reshape(16, NCH, CHUNK)

    x_split = jnp.concatenate([x[:, 0:DH], x[:, DH:D]], axis=0)
    b0_1r, b0_2r = b0_1.reshape(1, D), b0_2.reshape(1, D)
    b1_1r, b1_2r = b1_1.reshape(1, D), b1_2.reshape(1, D)
    bcol = batch.reshape(N_NODES, 1)
    brow = batch.reshape(1, N_NODES)
    perm = jax.random.permutation(jax.random.key(1), N_GRAPHS)
    perm_oh = jax.nn.one_hot(perm, N_GRAPHS, dtype=jnp.float32)

    p0 = _sc_segment_sum(src3d, dst3d, x_split)
    h1s = pl.pallas_call(
        _mlp_body,
        out_shape=jax.ShapeDtypeStruct((2 * N_NODES, DH), jnp.float32),
    )(p0, x_split, W0_1, b0_1r, W0_2, b0_2r)

    p1 = _sc_segment_sum(src3d, dst3d, h1s)
    loss = pl.pallas_call(
        _final_body,
        out_shape=jax.ShapeDtypeStruct((1, 1), jnp.float32),
    )(p1, h1s, W1_1, b1_1r, W1_2, b1_2r, w, bcol, brow, perm_oh)
    return loss[0, 0]

# --- scband reference (transcript-rebuilt; emitter-appended) ---
"""Pipeline reference for scband-deep-graph-infomax-34110630265406 (READ-ONLY COPY).

The authoritative reference and input builder live on the scoring server;
editing this copy changes nothing except your own understanding.
"""

import jax, jax.numpy as jnp
import numpy as np

N_NODES = 10000
N_EDGES = 320000
N_GRAPHS = 64
D_IN = 128
D_H = 128
NUM_LAYER = 2


def setup_inputs(seed: int = 0):
    key = jax.random.key(seed)
    ks = jax.random.split(key, 16)
    inp = {}
    inp["x"] = jax.random.normal(ks[0], (N_NODES, D_IN), dtype=jnp.float32)
    inp["edge_index"] = jax.random.randint(ks[1], (2, N_EDGES), 0, N_NODES)
    inp["batch"] = jnp.sort(jax.random.randint(ks[2], (N_NODES,), 0, N_GRAPHS))
    # GIN layer 0 MLP params
    inp["W0_1"] = jax.random.normal(ks[3], (D_IN, D_H), dtype=jnp.float32) * 0.05
    inp["b0_1"] = jnp.zeros((D_H,), dtype=jnp.float32)
    inp["W0_2"] = jax.random.normal(ks[4], (D_H, D_H), dtype=jnp.float32) * 0.05
    inp["b0_2"] = jnp.zeros((D_H,), dtype=jnp.float32)
    # GIN layer 1 MLP params
    inp["W1_1"] = jax.random.normal(ks[5], (D_H, D_H), dtype=jnp.float32) * 0.05
    inp["b1_1"] = jnp.zeros((D_H,), dtype=jnp.float32)
    inp["W1_2"] = jax.random.normal(ks[6], (D_H, D_H), dtype=jnp.float32) * 0.05
    inp["b1_2"] = jnp.zeros((D_H,), dtype=jnp.float32)
    # DGI discriminator bilinear weight
    inp["w"] = jax.random.normal(ks[7], (D_H, D_H), dtype=jnp.float32) * (1.0 / np.sqrt(D_H))
    return inp


def reference(x, edge_index, batch, W0_1, b0_1, W0_2, b0_2, W1_1, b1_1, W1_2, b1_2, w):
    src = edge_index[0]
    dst = edge_index[1]
    h = x
    params = [(W0_1, b0_1, W0_2, b0_2), (W1_1, b1_1, W1_2, b1_2)]
    for i, (Wa, ba, Wb, bb) in enumerate(params):
        # GIN message passing: sum-aggregate neighbors, add self (eps=0), apply MLP
        agg = jax.ops.segment_sum(h[src], dst, num_segments=N_NODES)
        z = agg + h
        z = jnp.maximum(z @ Wa + ba, 0.0)
        z = z @ Wb + bb
        if i < NUM_LAYER - 1:
            z = jnp.maximum(z, 0.0)
        h = z
    node_emb = h
    # global mean pool per graph
    ones = jnp.ones((N_NODES,), dtype=jnp.float32)
    sums = jax.ops.segment_sum(node_emb, batch, num_segments=N_GRAPHS)
    cnts = jax.ops.segment_sum(ones, batch, num_segments=N_GRAPHS)
    mean = sums / jnp.clip(cnts, 1.0)[:, None]
    summary = jax.nn.sigmoid(mean)
    # negative summaries: fixed permutation (stands in for torch.randperm)
    perm = jax.random.permutation(jax.random.key(1), N_GRAPHS)
    neg_summary = summary[perm]
    zw = node_emb @ w
    pos_val = jax.nn.sigmoid(jnp.sum(zw * summary[batch], axis=1))
    neg_val = jax.nn.sigmoid(jnp.sum(zw * neg_summary[batch], axis=1))
    pos_loss = -jnp.log(pos_val + 1e-15).mean()
    neg_loss = -jnp.log(1.0 - neg_val + 1e-15).mean()
    return pos_loss + neg_loss

if __name__ == "__main__":
    import jax
    _d = setup_inputs()
    print(jax.jit(kernel)(*tuple(_d.values())))

</pallas_src>

<mosaic_0001>
#map = affine_map<(d0, d1) -> (0, 0, 0)>
#map1 = affine_map<(d0, d1) -> (0, 0)>
module attributes {stable_mosaic.version = 14 : i64} {
  func.func @seg_kernel(%arg0: i32, %arg1: i32, %arg2: memref<16x160x128xi32, #tpu.memory_space<hbm>>, %arg3: memref<16x160x128xi32, #tpu.memory_space<hbm>>, %arg4: memref<20000x64xf32, #tpu.memory_space<hbm>>, %arg5: memref<20224x64xf32, #tpu.memory_space<hbm>>, %arg6: memref<160x128xi32, #tpu.memory_space<vmem>>, %arg7: memref<160x128xi32, #tpu.memory_space<vmem>>, %arg8: memref<128x64xf32, #tpu.memory_space<vmem>>, %arg9: memref<128x64xf32, #tpu.memory_space<vmem>>, %arg10: memref<128x64xf32, #tpu.memory_space<vmem>>, %arg11: memref<128x64xf32, #tpu.memory_space<vmem>>, %arg12: memref<10112x64xf32, #tpu.memory_space<vmem_shared>>, %arg13: memref<!tpu.dma_semaphore, #tpu.memory_space<semaphore_mem>>, %arg14: memref<!tpu.dma_semaphore, #tpu.memory_space<semaphore_mem>>, %arg15: memref<!tpu.dma_semaphore, #tpu.memory_space<semaphore_mem>>, %arg16: memref<!tpu.dma_semaphore, #tpu.memory_space<semaphore_mem>>) attributes {dimension_semantics = [#tpu.dimension_semantics<core_parallel>, #tpu.dimension_semantics<subcore_parallel>], iteration_bounds = array<i64: 2, 16>, scalar_prefetch = 0 : i64, scratch_operands = 11 : i64, tpu.core_type = #tpu.core_type<sc_vector_subcore>, window_params = [{transform_indices = #map}, {transform_indices = #map}, {transform_indices = #map1}, {transform_indices = #map1}]} {
    "tpu.region"() ({
      %run_scoped3A = tpu.sem_alloc : memref<!tpu.dma_semaphore, #tpu.memory_space<semaphore_mem>>
      %dma_start3A_73 = arith.constant 0 : i32
      %dma_start3A_74 = arith.constant 0 : i32
      %dma_start3A_75 = tpu.memref_slice %arg2[%arg1, %dma_start3A_73, %dma_start3A_74] : memref<16x160x128xi32, #tpu.memory_space<hbm>> -> memref<1x160x128xi32, #tpu.memory_space<hbm>>
      %dma_start3A_76 = tpu.memref_squeeze %dma_start3A_75 : memref<1x160x128xi32, #tpu.memory_space<hbm>> -> memref<160x128xi32, #tpu.memory_space<hbm>>
      %dma_start3A_77 = arith.constant 0 : i32
      %dma_start3A_78 = arith.constant 0 : i32
      %dma_start3A_79 = tpu.memref_slice %arg2[%arg1, %dma_start3A_77, %dma_start3A_78] : memref<16x160x128xi32, #tpu.memory_space<hbm>> -> memref<1x160x128xi32, #tpu.memory_space<hbm>>
      %dma_start3A_80 = tpu.memref_squeeze %dma_start3A_79 : memref<1x160x128xi32, #tpu.memory_space<hbm>> -> memref<160x128xi32, #tpu.memory_space<hbm>>
      tpu.enqueue_dma source(%dma_start3A_80 : memref<160x128xi32, #tpu.memory_space<hbm>>) target(%arg6 : memref<160x128xi32, #tpu.memory_space<vmem>>) target_semaphore(%run_scoped3A : memref<!tpu.dma_semaphore, #tpu.memory_space<semaphore_mem>>)
      %dma_wait3A = arith.constant 0 : i32
      %dma_wait3A_81 = arith.constant 0 : i32
      %dma_wait3A_82 = tpu.memref_slice %arg2[%arg1, %dma_wait3A, %dma_wait3A_81] : memref<16x160x128xi32, #tpu.memory_space<hbm>> -> memref<1x160x128xi32, #tpu.memory_space<hbm>>
      %dma_wait3A_83 = tpu.memref_squeeze %dma_wait3A_82 : memref<1x160x128xi32, #tpu.memory_space<hbm>> -> memref<160x128xi32, #tpu.memory_space<hbm>>
      %dma_wait3A_84 = arith.constant 0 : i32
      %dma_wait3A_85 = arith.constant 0 : i32
      %dma_wait3A_86 = tpu.memref_slice %arg2[%arg1, %dma_wait3A_84, %dma_wait3A_85] : memref<16x160x128xi32, #tpu.memory_space<hbm>> -> memref<1x160x128xi32, #tpu.memory_space<hbm>>
      %dma_wait3A_87 = tpu.memref_squeeze %dma_wait3A_86 : memref<1x160x128xi32, #tpu.memory_space<hbm>> -> memref<160x128xi32, #tpu.memory_space<hbm>>
      tpu.wait_dma2 semaphore(%run_scoped3A : memref<!tpu.dma_semaphore, #tpu.memory_space<semaphore_mem>>) src(%dma_wait3A_87 : memref<160x128xi32, #tpu.memory_space<hbm>>) dst(%arg6 : memref<160x128xi32, #tpu.memory_space<vmem>>)
      tpu.yield
    }) : () -> ()
    "tpu.region"() ({
      %run_scoped3A = tpu.sem_alloc : memref<!tpu.dma_semaphore, #tpu.memory_space<semaphore_mem>>
      %dma_start3A_73 = arith.constant 0 : i32
      %dma_start3A_74 = arith.constant 0 : i32
      %dma_start3A_75 = tpu.memref_slice %arg3[%arg1, %dma_start3A_73, %dma_start3A_74] : memref<16x160x128xi32, #tpu.memory_space<hbm>> -> memref<1x160x128xi32, #tpu.memory_space<hbm>>
      %dma_start3A_76 = tpu.memref_squeeze %dma_start3A_75 : memref<1x160x128xi32, #tpu.memory_space<hbm>> -> memref<160x128xi32, #tpu.memory_space<hbm>>
      %dma_start3A_77 = arith.constant 0 : i32
      %dma_start3A_78 = arith.constant 0 : i32
      %dma_start3A_79 = tpu.memref_slice %arg3[%arg1, %dma_start3A_77, %dma_start3A_78] : memref<16x160x128xi32, #tpu.memory_space<hbm>> -> memref<1x160x128xi32, #tpu.memory_space<hbm>>
      %dma_start3A_80 = tpu.memref_squeeze %dma_start3A_79 : memref<1x160x128xi32, #tpu.memory_space<hbm>> -> memref<160x128xi32, #tpu.memory_space<hbm>>
      tpu.enqueue_dma source(%dma_start3A_80 : memref<160x128xi32, #tpu.memory_space<hbm>>) target(%arg7 : memref<160x128xi32, #tpu.memory_space<vmem>>) target_semaphore(%run_scoped3A : memref<!tpu.dma_semaphore, #tpu.memory_space<semaphore_mem>>)
      %dma_wait3A = arith.constant 0 : i32
      %dma_wait3A_81 = arith.constant 0 : i32
      %dma_wait3A_82 = tpu.memref_slice %arg3[%arg1, %dma_wait3A, %dma_wait3A_81] : memref<16x160x128xi32, #tpu.memory_space<hbm>> -> memref<1x160x128xi32, #tpu.memory_space<hbm>>
      %dma_wait3A_83 = tpu.memref_squeeze %dma_wait3A_82 : memref<1x160x128xi32, #tpu.memory_space<hbm>> -> memref<160x128xi32, #tpu.memory_space<hbm>>
      %dma_wait3A_84 = arith.constant 0 : i32
      %dma_wait3A_85 = arith.constant 0 : i32
      %dma_wait3A_86 = tpu.memref_slice %arg3[%arg1, %dma_wait3A_84, %dma_wait3A_85] : memref<16x160x128xi32, #tpu.memory_space<hbm>> -> memref<1x160x128xi32, #tpu.memory_space<hbm>>
      %dma_wait3A_87 = tpu.memref_squeeze %dma_wait3A_86 : memref<1x160x128xi32, #tpu.memory_space<hbm>> -> memref<160x128xi32, #tpu.memory_space<hbm>>
      tpu.wait_dma2 semaphore(%run_scoped3A : memref<!tpu.dma_semaphore, #tpu.memory_space<semaphore_mem>>) src(%dma_wait3A_87 : memref<160x128xi32, #tpu.memory_space<hbm>>) dst(%arg7 : memref<160x128xi32, #tpu.memory_space<vmem>>)
      tpu.yield
    }) : () -> ()
    %mul3A = arith.constant 10000 : i32
    %mul3A_0 = arith.muli %arg0, %mul3A : i32
    %broadcast_in_dim3A = vector.broadcast %mul3A_0 : i32 to vector<16xi32>
    %scan3A = arith.constant 0 : i32
    %scan3A_1 = arith.constant 0 : i32
    %scan3A_2 = arith.constant 160 : i32
    %scan3A_3 = arith.addi %scan3A_1, %scan3A_2 : i32
    %scan3A_4 = arith.constant 1 : i32
    %scan3A_5 = scf.for %scan3A_73 = %scan3A_1 to %scan3A_3 step %scan3A_4 iter_args(%scan3A_74 = %scan3A) -> (i32)  : i32 {
      %get3A = arith.index_cast %scan3A_73 : i32 to index
      %get3A_75 = arith.constant 0 : index
      %get3A_76 = tpu.vector_load %arg6[%get3A, %get3A_75] {strides = array<i32>} : memref<160x128xi32, #tpu.memory_space<vmem>>, vector<1x16xi32>,
      %get3A_77 = vector.shape_cast %get3A_76 : vector<1x16xi32> to vector<16xi32>
      %add3A_78 = arith.addi %get3A_77, %broadcast_in_dim3A : vector<16xi32>
      %swap3A = arith.index_cast %scan3A_73 : i32 to index
      %swap3A_79 = arith.constant 0 : index
      %swap3A_80 = tpu.vector_load %arg6[%swap3A, %swap3A_79] {strides = array<i32>} : memref<160x128xi32, #tpu.memory_space<vmem>>, vector<1x16xi32>,
      %swap3A_81 = vector.shape_cast %swap3A_80 : vector<1x16xi32> to vector<16xi32>
      %swap3A_82 = vector.shape_cast %add3A_78 : vector<16xi32> to vector<1x16xi32>
      tpu.vector_store %arg6[%swap3A, %swap3A_79], %swap3A_82 {strides = array<i32>} : memref<160x128xi32, #tpu.memory_space<vmem>>, vector<1x16xi32>,
      %get3A_83 = arith.index_cast %scan3A_73 : i32 to index
      %get3A_84 = arith.constant 16 : index
      %get3A_85 = tpu.vector_load %arg6[%get3A_83, %get3A_84] {strides = array<i32>} : memref<160x128xi32, #tpu.memory_space<vmem>>, vector<1x16xi32>,
      %get3A_86 = vector.shape_cast %get3A_85 : vector<1x16xi32> to vector<16xi32>
      %add3A_87 = arith.addi %get3A_86, %broadcast_in_dim3A : vector<16xi32>
      %swap3A_88 = arith.index_cast %scan3A_73 : i32 to index
      %swap3A_89 = arith.constant 16 : index
      %swap3A_90 = tpu.vector_load %arg6[%swap3A_88, %swap3A_89] {strides = array<i32>} : memref<160x128xi32, #tpu.memory_space<vmem>>, vector<1x16xi32>,
      %swap3A_91 = vector.shape_cast %swap3A_90 : vector<1x16xi32> to vector<16xi32>
      %swap3A_92 = vector.shape_cast %add3A_87 : vector<16xi32> to vector<1x16xi32>
      tpu.vector_store %arg6[%swap3A_88, %swap3A_89], %swap3A_92 {strides = array<i32>} : memref<160x128xi32, #tpu.memory_space<vmem>>, vector<1x16xi32>,
      %get3A_93 = arith.index_cast %scan3A_73 : i32 to index
      %get3A_94 = arith.constant 32 : index
      %get3A_95 = tpu.vector_load %arg6[%get3A_93, %get3A_94] {strides = array<i32>} : memref<160x128xi32, #tpu.memory_space<vmem>>, vector<1x16xi32>,
      %get3A_96 = vector.shape_cast %get3A_95 : vector<1x16xi32> to vector<16xi32>
      %add3A_97 = arith.addi %get3A_96, %broadcast_in_dim3A : vector<16xi32>
      %swap3A_98 = arith.index_cast %scan3A_73 : i32 to index
      %swap3A_99 = arith.constant 32 : index
      %swap3A_100 = tpu.vector_load %arg6[%swap3A_98, %swap3A_99] {strides = array<i32>} : memref<160x128xi32, #tpu.memory_space<vmem>>, vector<1x16xi32>,
      %swap3A_101 = vector.shape_cast %swap3A_100 : vector<1x16xi32> to vector<16xi32>
      %swap3A_102 = vector.shape_cast %add3A_97 : vector<16xi32> to vector<1x16xi32>
      tpu.vector_store %arg6[%swap3A_98, %swap3A_99], %swap3A_102 {strides = array<i32>} : memref<160x128xi32, #tpu.memory_space<vmem>>, vector<1x16xi32>,
      %get3A_103 = arith.index_cast %scan3A_73 : i32 to index
      %get3A_104 = arith.constant 48 : index
      %get3A_105 = tpu.vector_load %arg6[%get3A_103, %get3A_104] {strides = array<i32>} : memref<160x128xi32, #tpu.memory_space<vmem>>, vector<1x16xi32>,
      %get3A_106 = vector.shape_cast %get3A_105 : vector<1x16xi32> to vector<16xi32>
      %add3A_107 = arith.addi %get3A_106, %broadcast_in_dim3A : vector<16xi32>
      %swap3A_108 = arith.index_cast %scan3A_73 : i32 to index
      %swap3A_109 = arith.constant 48 : index
      %swap3A_110 = tpu.vector_load %arg6[%swap3A_108, %swap3A_109] {strides = array<i32>} : memref<160x128xi32, #tpu.memory_space<vmem>>, vector<1x16xi32>,
      %swap3A_111 = vector.shape_cast %swap3A_110 : vector<1x16xi32> to vector<16xi32>
      %swap3A_112 = vector.shape_cast %add3A_107 : vector<16xi32> to vector<1x16xi32>
      tpu.vector_store %arg6[%swap3A_108, %swap3A_109], %swap3A_112 {strides = array<i32>} : memref<160x128xi32, #tpu.memory_space<vmem>>, vector<1x16xi32>,
      %get3A_113 = arith.index_cast %scan3A_73 : i32 to index
      %get3A_114 = arith.constant 64 : index
      %get3A_115 = tpu.vector_load %arg6[%get3A_113, %get3A_114] {strides = array<i32>} : memref<160x128xi32, #tpu.memory_space<vmem>>, vector<1x16xi32>,
      %get3A_116 = vector.shape_cast %get3A_115 : vector<1x16xi32> to vector<16xi32>
      %add3A_117 = arith.addi %get3A_116, %broadcast_in_dim3A : vector<16xi32>
      %swap3A_118 = arith.index_cast %scan3A_73 : i32 to index
      %swap3A_119 = arith.constant 64 : index
      %swap3A_120 = tpu.vector_load %arg6[%swap3A_118, %swap3A_119] {strides = array<i32>} : memref<160x128xi32, #tpu.memory_space<vmem>>, vector<1x16xi32>,
      %swap3A_121 = vector.shape_cast %swap3A_120 : vector<1x16xi32> to vector<16xi32>
      %swap3A_122 = vector.shape_cast %add3A_117 : vector<16xi32> to vector<1x16xi32>
      tpu.vector_store %arg6[%swap3A_118, %swap3A_119], %swap3A_122 {strides = array<i32>} : memref<160x128xi32, #tpu.memory_space<vmem>>, vector<1x16xi32>,
      %get3A_123 = arith.index_cast %scan3A_73 : i32 to index
      %get3A_124 = arith.constant 80 : index
      %get3A_125 = tpu.vector_load %arg6[%get3A_123, %get3A_124] {strides = array<i32>} : memref<160x128xi32, #tpu.memory_space<vmem>>, vector<1x16xi32>,
      %get3A_126 = vector.shape_cast %get3A_125 : vector<1x16xi32> to vector<16xi32>
      %add3A_127 = arith.addi %get3A_126, %broadcast_in_dim3A : vector<16xi32>
      %swap3A_128 = arith.index_cast %scan3A_73 : i32 to index
      %swap3A_129 = arith.constant 80 : index
      %swap3A_130 = tpu.vector_load %arg6[%swap3A_128, %swap3A_129] {strides = array<i32>} : memref<160x128xi32, #tpu.memory_space<vmem>>, vector<1x16xi32>,
      %swap3A_131 = vector.shape_cast %swap3A_130 : vector<1x16xi32> to vector<16xi32>
      %swap3A_132 = vector.shape_cast %add3A_127 : vector<16xi32> to vector<1x16xi32>
      tpu.vector_store %arg6[%swap3A_128, %swap3A_129], %swap3A_132 {strides = array<i32>} : memref<160x128xi32, #tpu.memory_space<vmem>>, vector<1x16xi32>,
      %get3A_133 = arith.index_cast %scan3A_73 : i32 to index
      %get3A_134 = arith.constant 96 : index
      %get3A_135 = tpu.vector_load %arg6[%get3A_133, %get3A_134] {strides = array<i32>} : memref<160x128xi32, #tpu.memory_space<vmem>>, vector<1x16xi32>,
      %get3A_136 = vector.shape_cast %get3A_135 : vector<1x16xi32> to vector<16xi32>
      %add3A_137 = arith.addi %get3A_136, %broadcast_in_dim3A : vector<16xi32>
      %swap3A_138 = arith.index_cast %scan3A_73 : i32 to index
      %swap3A_139 = arith.constant 96 : index
      %swap3A_140 = tpu.vector_load %arg6[%swap3A_138, %swap3A_139] {strides = array<i32>} : memref<160x128xi32, #tpu.memory_space<vmem>>, vector<1x16xi32>,
      %swap3A_141 = vector.shape_cast %swap3A_140 : vector<1x16xi32> to vector<16xi32>
      %swap3A_142 = vector.shape_cast %add3A_137 : vector<16xi32> to vector<1x16xi32>
      tpu.vector_store %arg6[%swap3A_138, %swap3A_139], %swap3A_142 {strides = array<i32>} : memref<160x128xi32, #tpu.memory_space<vmem>>, vector<1x16xi32>,
      %get3A_143 = arith.index_cast %scan3A_73 : i32 to index
      %get3A_144 = arith.constant 112 : index
      %get3A_145 = tpu.vector_load %arg6[%get3A_143, %get3A_144] {strides = array<i32>} : memref<160x128xi32, #tpu.memory_space<vmem>>, vector<1x16xi32>,
      %get3A_146 = vector.shape_cast %get3A_145 : vector<1x16xi32> to vector<16xi32>
      %add3A_147 = arith.addi %get3A_146, %broadcast_in_dim3A : vector<16xi32>
      %swap3A_148 = arith.index_cast %scan3A_73 : i32 to index
      %swap3A_149 = arith.constant 112 : index
      %swap3A_150 = tpu.vector_load %arg6[%swap3A_148, %swap3A_149] {strides = array<i32>} : memref<160x128xi32, #tpu.memory_space<vmem>>, vector<1x16xi32>,
      %swap3A_151 = vector.shape_cast %swap3A_150 : vector<1x16xi32> to vector<16xi32>
      %swap3A_152 = vector.shape_cast %add3A_147 : vector<16xi32> to vector<1x16xi32>
      tpu.vector_store %arg6[%swap3A_148, %swap3A_149], %swap3A_152 {strides = array<i32>} : memref<160x128xi32, #tpu.memory_space<vmem>>, vector<1x16xi32>,
      %scan3A_153 = arith.constant 0 : i32
      scf.yield %scan3A_153 : i32
    }
    %scan3A_6 = arith.constant 160 : i32
    %scan3A_7 = arith.constant 0 : i32
    %scan3A_8 = arith.constant 0 : i32
    %scan3A_9 = arith.constant 128 : i32
    %scan3A_10 = arith.addi %scan3A_8, %scan3A_9 : i32
    %scan3A_11 = arith.constant 1 : i32
    %scan3A_12 = scf.for %scan3A_73 = %scan3A_8 to %scan3A_10 step %scan3A_11 iter_args(%scan3A_74 = %scan3A_7) -> (i32)  : i32 {
      %broadcast_in_dim3A_75 = arith.constant 0.000000e+00 : f32
      %broadcast_in_dim3A_76 = vector.broadcast %broadcast_in_dim3A_75 : f32 to vector<16xf32>
      %swap3A = arith.index_cast %scan3A_73 : i32 to index
      %swap3A_77 = arith.constant 0 : index
      %swap3A_78 = tpu.vector_load %arg8[%swap3A, %swap3A_77] {strides = array<i32>} : memref<128x64xf32, #tpu.memory_space<vmem>>, vector<1x16xf32>,
      %swap3A_79 = vector.shape_cast %swap3A_78 : vector<1x16xf32> to vector<16xf32>
      %swap3A_80 = vector.shape_cast %broadcast_in_dim3A_76 : vector<16xf32> to vector<1x16xf32>
      tpu.vector_store %arg8[%swap3A, %swap3A_77], %swap3A_80 {strides = array<i32>} : memref<128x64xf32, #tpu.memory_space<vmem>>, vector<1x16xf32>,
      %broadcast_in_dim3A_81 = arith.constant 0.000000e+00 : f32
      %broadcast_in_dim3A_82 = vector.broadcast %broadcast_in_dim3A_81 : f32 to vector<16xf32>
      %swap3A_83 = arith.index_cast %scan3A_73 : i32 to index
      %swap3A_84 = arith.constant 16 : index
      %swap3A_85 = tpu.vector_load %arg8[%swap3A_83, %swap3A_84] {strides = array<i32>} : memref<128x64xf32, #tpu.memory_space<vmem>>, vector<1x16xf32>,
      %swap3A_86 = vector.shape_cast %swap3A_85 : vector<1x16xf32> to vector<16xf32>
      %swap3A_87 = vector.shape_cast %broadcast_in_dim3A_82 : vector<16xf32> to vector<1x16xf32>
      tpu.vector_store %arg8[%swap3A_83, %swap3A_84], %swap3A_87 {strides = array<i32>} : memref<128x64xf32, #tpu.memory_space<vmem>>, vector<1x16xf32>,
      %broadcast_in_dim3A_88 = arith.constant 0.000000e+00 : f32
      %broadcast_in_dim3A_89 = vector.broadcast %broadcast_in_dim3A_88 : f32 to vector<16xf32>
      %swap3A_90 = arith.index_cast %scan3A_73 : i32 to index
      %swap3A_91 = arith.constant 32 : index
      %swap3A_92 = tpu.vector_load %arg8[%swap3A_90, %swap3A_91] {strides = array<i32>} : memref<128x64xf32, #tpu.memory_space<vmem>>, vector<1x16xf32>,
      %swap3A_93 = vector.shape_cast %swap3A_92 : vector<1x16xf32> to vector<16xf32>
      %swap3A_94 = vector.shape_cast %broadcast_in_dim3A_89 : vector<16xf32> to vector<1x16xf32>
      tpu.vector_store %arg8[%swap3A_90, %swap3A_91], %swap3A_94 {strides = array<i32>} : memref<128x64xf32, #tpu.memory_space<vmem>>, vector<1x16xf32>,
      %broadcast_in_dim3A_95 = arith.constant 0.000000e+00 : f32
      %broadcast_in_dim3A_96 = vector.broadcast %broadcast_in_dim3A_95 : f32 to vector<16xf32>
      %swap3A_97 = arith.index_cast %scan3A_73 : i32 to index
      %swap3A_98 = arith.constant 48 : index
      %swap3A_99 = tpu.vector_load %arg8[%swap3A_97, %swap3A_98] {strides = array<i32>} : memref<128x64xf32, #tpu.memory_space<vmem>>, vector<1x16xf32>,
      %swap3A_100 = vector.shape_cast %swap3A_99 : vector<1x16xf32> to vector<16xf32>
      %swap3A_101 = vector.shape_cast %broadcast_in_dim3A_96 : vector<16xf32> to vector<1x16xf32>
      tpu.vector_store %arg8[%swap3A_97, %swap3A_98], %swap3A_101 {strides = array<i32>} : memref<128x64xf32, #tpu.memory_space<vmem>>, vector<1x16xf32>,
      %scan3A_102 = arith.constant 0 : i32
      scf.yield %scan3A_102 : i32
    }
    %scan3A_13 = arith.constant 128 : i32
    %mul3A_14 = arith.constant 632 : i32
    %mul3A_15 = arith.muli %arg1, %mul3A_14 : i32
    %scan3A_16 = arith.constant 0 : i32
    %scan3A_17 = arith.constant 0 : i32
    %scan3A_18 = arith.constant 4 : i32
    %scan3A_19 = arith.addi %scan3A_17, %scan3A_18 : i32
    %scan3A_20 = arith.constant 1 : i32
    %scan3A_21 = scf.for %scan3A_73 = %scan3A_17 to %scan3A_19 step %scan3A_20 iter_args(%scan3A_74 = %scan3A_16) -> (i32)  : i32 {
      %mul3A_75 = arith.constant 128 : i32
      %mul3A_76 = arith.muli %scan3A_73, %mul3A_75 : i32
      %add3A_77 = arith.addi %mul3A_15, %mul3A_76 : i32
      "tpu.region"() ({
        %run_scoped3A = tpu.sem_alloc : memref<!tpu.dma_semaphore, #tpu.memory_space<semaphore_mem>>
        %dma_start3A_79 = arith.constant 0 : i32
        %dma_start3A_80 = tpu.memref_slice %arg12[%add3A_77, %dma_start3A_79] : memref<10112x64xf32, #tpu.memory_space<vmem_shared>> -> memref<128x64xf32, #tpu.memory_space<vmem_shared>>
        %dma_start3A_81 = arith.constant 0 : i32
        %dma_start3A_82 = tpu.memref_slice %arg12[%add3A_77, %dma_start3A_81] : memref<10112x64xf32, #tpu.memory_space<vmem_shared>> -> memref<128x64xf32, #tpu.memory_space<vmem_shared>>
        tpu.enqueue_dma source(%arg8 : memref<128x64xf32, #tpu.memory_space<vmem>>) target(%dma_start3A_82 : memref<128x64xf32, #tpu.memory_space<vmem_shared>>) target_semaphore(%run_scoped3A : memref<!tpu.dma_semaphore, #tpu.memory_space<semaphore_mem>>)
        %dma_wait3A = arith.constant 0 : i32
        %dma_wait3A_83 = tpu.memref_slice %arg12[%add3A_77, %dma_wait3A] : memref<10112x64xf32, #tpu.memory_space<vmem_shared>> -> memref<128x64xf32, #tpu.memory_space<vmem_shared>>
        %dma_wait3A_84 = arith.constant 0 : i32
        %dma_wait3A_85 = tpu.memref_slice %arg12[%add3A_77, %dma_wait3A_84] : memref<10112x64xf32, #tpu.memory_space<vmem_shared>> -> memref<128x64xf32, #tpu.memory_space<vmem_shared>>
        tpu.wait_dma2 semaphore(%run_scoped3A : memref<!tpu.dma_semaphore, #tpu.memory_space<semaphore_mem>>) src(%arg8 : memref<128x64xf32, #tpu.memory_space<vmem>>) dst(%dma_wait3A_85 : memref<128x64xf32, #tpu.memory_space<vmem_shared>>)
        tpu.yield
      }) : () -> ()
      %scan3A_78 = arith.constant 0 : i32
      scf.yield %scan3A_78 : i32
    }
    %scan3A_22 = arith.constant 4 : i32
    %add3A = arith.constant 512 : i32
    %add3A_23 = arith.addi %mul3A_15, %add3A : i32
    "tpu.region"() ({
      %run_scoped3A = tpu.sem_alloc : memref<!tpu.dma_semaphore, #tpu.memory_space<semaphore_mem>>
      %dma_start3A_73 = arith.constant 0 : i32
      %dma_start3A_74 = arith.constant 0 : i32
      %dma_start3A_75 = tpu.memref_slice %arg8[%dma_start3A_73, %dma_start3A_74] : memref<128x64xf32, #tpu.memory_space<vmem>> -> memref<120x64xf32, #tpu.memory_space<vmem>>
      %dma_start3A_76 = arith.constant 0 : i32
      %dma_start3A_77 = tpu.memref_slice %arg12[%add3A_23, %dma_start3A_76] : memref<10112x64xf32, #tpu.memory_space<vmem_shared>> -> memref<120x64xf32, #tpu.memory_space<vmem_shared>>
      %dma_start3A_78 = arith.constant 0 : i32
      %dma_start3A_79 = tpu.memref_slice %arg12[%add3A_23, %dma_start3A_78] : memref<10112x64xf32, #tpu.memory_space<vmem_shared>> -> memref<120x64xf32, #tpu.memory_space<vmem_shared>>
      %dma_start3A_80 = arith.constant 0 : i32
      %dma_start3A_81 = arith.constant 0 : i32
      %dma_start3A_82 = tpu.memref_slice %arg8[%dma_start3A_80, %dma_start3A_81] : memref<128x64xf32, #tpu.memory_space<vmem>> -> memref<120x64xf32, #tpu.memory_space<vmem>>
      tpu.enqueue_dma source(%dma_start3A_82 : memref<120x64xf32, #tpu.memory_space<vmem>>) target(%dma_start3A_79 : memref<120x64xf32, #tpu.memory_space<vmem_shared>>) target_semaphore(%run_scoped3A : memref<!tpu.dma_semaphore, #tpu.memory_space<semaphore_mem>>)
      %dma_wait3A = arith.constant 0 : i32
      %dma_wait3A_83 = arith.constant 0 : i32
      %dma_wait3A_84 = tpu.memref_slice %arg8[%dma_wait3A, %dma_wait3A_83] : memref<128x64xf32, #tpu.memory_space<vmem>> -> memref<120x64xf32, #tpu.memory_space<vmem>>
      %dma_wait3A_85 = arith.constant 0 : i32
      %dma_wait3A_86 = tpu.memref_slice %arg12[%add3A_23, %dma_wait3A_85] : memref<10112x64xf32, #tpu.memory_space<vmem_shared>> -> memref<120x64xf32, #tpu.memory_space<vmem_shared>>
      %dma_wait3A_87 = arith.constant 0 : i32
      %dma_wait3A_88 = tpu.memref_slice %arg12[%add3A_23, %dma_wait3A_87] : memref<10112x64xf32, #tpu.memory_space<vmem_shared>> -> memref<120x64xf32, #tpu.memory_space<vmem_shared>>
      %dma_wait3A_89 = arith.constant 0 : i32
      %dma_wait3A_90 = arith.constant 0 : i32
      %dma_wait3A_91 = tpu.memref_slice %arg8[%dma_wait3A_89, %dma_wait3A_90] : memref<128x64xf32, #tpu.memory_space<vmem>> -> memref<120x64xf32, #tpu.memory_space<vmem>>
      tpu.wait_dma2 semaphore(%run_scoped3A : memref<!tpu.dma_semaphore, #tpu.memory_space<semaphore_mem>>) src(%dma_wait3A_91 : memref<120x64xf32, #tpu.memory_space<vmem>>) dst(%dma_wait3A_88 : memref<120x64xf32, #tpu.memory_space<vmem_shared>>)
      tpu.yield
    }) : () -> ()
    %barrier3A = arith.constant 0 : index
    tpu.barrier barrier_id(%barrier3A)
    %dma_start3A = arith.constant 0 : i32
    %dma_start3A_24 = arith.constant 0 : i32
    %dma_start3A_25 = tpu.memref_slice %arg6[%dma_start3A, %dma_start3A_24] : memref<160x128xi32, #tpu.memory_space<vmem>> -> memref<1x128xi32, #tpu.memory_space<vmem>>
    %dma_start3A_26 = tpu.memref_squeeze %dma_start3A_25 : memref<1x128xi32, #tpu.memory_space<vmem>> -> memref<128xi32, #tpu.memory_space<vmem>>
    %dma_start3A_27 = arith.constant 0 : i32
    %dma_start3A_28 = arith.constant 0 : i32
    %dma_start3A_29 = tpu.memref_slice %arg4[%dma_start3A_27, %dma_start3A_28] : memref<20000x64xf32, #tpu.memory_space<hbm>> -> memref<20000x64xf32, #tpu.memory_space<hbm>>
    tpu.enqueue_indirect_dma source(%dma_start3A_29 : memref<20000x64xf32, #tpu.memory_space<hbm>>) target(%arg8 : memref<128x64xf32, #tpu.memory_space<vmem>>) offsets(%dma_start3A_26 : memref<128xi32, #tpu.memory_space<vmem>>) semaphore(%arg13 : memref<!tpu.dma_semaphore, #tpu.memory_space<semaphore_mem>>)
    %dma_start3A_30 = arith.constant 1 : i32
    %dma_start3A_31 = arith.constant 0 : i32
    %dma_start3A_32 = tpu.memref_slice %arg6[%dma_start3A_30, %dma_start3A_31] : memref<160x128xi32, #tpu.memory_space<vmem>> -> memref<1x128xi32, #tpu.memory_space<vmem>>
    %dma_start3A_33 = tpu.memref_squeeze %dma_start3A_32 : memref<1x128xi32, #tpu.memory_space<vmem>> -> memref<128xi32, #tpu.memory_space<vmem>>
    %dma_start3A_34 = arith.constant 0 : i32
    %dma_start3A_35 = arith.constant 0 : i32
    %dma_start3A_36 = tpu.memref_slice %arg4[%dma_start3A_34, %dma_start3A_35] : memref<20000x64xf32, #tpu.memory_space<hbm>> -> memref<20000x64xf32, #tpu.memory_space<hbm>>
    tpu.enqueue_indirect_dma source(%dma_start3A_36 : memref<20000x64xf32, #tpu.memory_space<hbm>>) target(%arg9 : memref<128x64xf32, #tpu.memory_space<vmem>>) offsets(%dma_start3A_33 : memref<128xi32, #tpu.memory_space<vmem>>) semaphore(%arg14 : memref<!tpu.dma_semaphore, #tpu.memory_space<semaphore_mem>>)
    %dma_start3A_37 = arith.constant 2 : i32
    %dma_start3A_38 = arith.constant 0 : i32
    %dma_start3A_39 = tpu.memref_slice %arg6[%dma_start3A_37, %dma_start3A_38] : memref<160x128xi32, #tpu.memory_space<vmem>> -> memref<1x128xi32, #tpu.memory_space<vmem>>
    %dma_start3A_40 = tpu.memref_squeeze %dma_start3A_39 : memref<1x128xi32, #tpu.memory_space<vmem>> -> memref<128xi32, #tpu.memory_space<vmem>>
    %dma_start3A_41 = arith.constant 0 : i32
    %dma_start3A_42 = arith.constant 0 : i32
    %dma_start3A_43 = tpu.memref_slice %arg4[%dma_start3A_41, %dma_start3A_42] : memref<20000x64xf32, #tpu.memory_space<hbm>> -> memref<20000x64xf32, #tpu.memory_space<hbm>>
    tpu.enqueue_indirect_dma source(%dma_start3A_43 : memref<20000x64xf32, #tpu.memory_space<hbm>>) target(%arg10 : memref<128x64xf32, #tpu.memory_space<vmem>>) offsets(%dma_start3A_40 : memref<128xi32, #tpu.memory_space<vmem>>) semaphore(%arg15 : memref<!tpu.dma_semaphore, #tpu.memory_space<semaphore_mem>>)
    %dma_start3A_44 = arith.constant 3 : i32
    %dma_start3A_45 = arith.constant 0 : i32
    %dma_start3A_46 = tpu.memref_slice %arg6[%dma_start3A_44, %dma_start3A_45] : memref<160x128xi32, #tpu.memory_space<vmem>> -> memref<1x128xi32, #tpu.memory_space<vmem>>
    %dma_start3A_47 = tpu.memref_squeeze %dma_start3A_46 : memref<1x128xi32, #tpu.memory_space<vmem>> -> memref<128xi32, #tpu.memory_space<vmem>>
    %dma_start3A_48 = arith.constant 0 : i32
    %dma_start3A_49 = arith.constant 0 : i32
    %dma_start3A_50 = tpu.memref_slice %arg4[%dma_start3A_48, %dma_start3A_49] : memref<20000x64xf32, #tpu.memory_space<hbm>> -> memref<20000x64xf32, #tpu.memory_space<hbm>>
    tpu.enqueue_indirect_dma source(%dma_start3A_50 : memref<20000x64xf32, #tpu.memory_space<hbm>>) target(%arg11 : memref<128x64xf32, #tpu.memory_space<vmem>>) offsets(%dma_start3A_47 : memref<128xi32, #tpu.memory_space<vmem>>) semaphore(%arg16 : memref<!tpu.dma_semaphore, #tpu.memory_space<semaphore_mem>>)
    %scan3A_51 = arith.constant 0 : i32
    %scan3A_52 = arith.constant 0 : i32
    %scan3A_53 = arith.constant 40 : i32
    %scan3A_54 = arith.addi %scan3A_52, %scan3A_53 : i32
    %scan3A_55 = arith.constant 1 : i32
    %scan3A_56 = scf.for %scan3A_73 = %scan3A_52 to %scan3A_54 step %scan3A_55 iter_args(%scan3A_74 = %scan3A_51) -> (i32)  : i32 {
      %mul3A_75 = arith.constant 4 : i32
      %mul3A_76 = arith.muli %scan3A_73, %mul3A_75 : i32
      %add3A_77 = arith.constant 0 : i32
      %add3A_78 = arith.addi %mul3A_76, %add3A_77 : i32
      %dma_wait3A = arith.constant 0 : i32
      %dma_wait3A_79 = tpu.memref_slice %arg6[%add3A_78, %dma_wait3A] : memref<160x128xi32, #tpu.memory_space<vmem>> -> memref<1x128xi32, #tpu.memory_space<vmem>>
      %dma_wait3A_80 = tpu.memref_squeeze %dma_wait3A_79 : memref<1x128xi32, #tpu.memory_space<vmem>> -> memref<128xi32, #tpu.memory_space<vmem>>
      %dma_wait3A_81 = arith.constant 0 : i32
      %dma_wait3A_82 = arith.constant 0 : i32
      %dma_wait3A_83 = tpu.memref_slice %arg4[%dma_wait3A_81, %dma_wait3A_82] : memref<20000x64xf32, #tpu.memory_space<hbm>> -> memref<20000x64xf32, #tpu.memory_space<hbm>>
      tpu.wait_indirect_dma semaphore(%arg13 : memref<!tpu.dma_semaphore, #tpu.memory_space<semaphore_mem>>) src(%dma_wait3A_83 : memref<20000x64xf32, #tpu.memory_space<hbm>>) dst(%arg8 : memref<128x64xf32, #tpu.memory_space<vmem>>)
      "tpu.region"() ({
        %run_scoped3A = tpu.sem_alloc : memref<!tpu.dma_semaphore, #tpu.memory_space<semaphore_mem>>
        %dma_start3A_140 = arith.constant 0 : i32
        %dma_start3A_141 = tpu.memref_slice %arg7[%add3A_78, %dma_start3A_140] : memref<160x128xi32, #tpu.memory_space<vmem>> -> memref<1x128xi32, #tpu.memory_space<vmem>>
        %dma_start3A_142 = tpu.memref_squeeze %dma_start3A_141 : memref<1x128xi32, #tpu.memory_space<vmem>> -> memref<128xi32, #tpu.memory_space<vmem>>
        %dma_start3A_143 = arith.constant 0 : i32
        %dma_start3A_144 = arith.constant 0 : i32
        %dma_start3A_145 = tpu.memref_slice %arg12[%dma_start3A_143, %dma_start3A_144] : memref<10112x64xf32, #tpu.memory_space<vmem_shared>> -> memref<10112x64xf32, #tpu.memory_space<vmem_shared>>
        tpu.enqueue_indirect_dma source(%arg8 : memref<128x64xf32, #tpu.memory_space<vmem>>) target(%dma_start3A_145 : memref<10112x64xf32, #tpu.memory_space<vmem_shared>>) offsets(%dma_start3A_142 : memref<128xi32, #tpu.memory_space<vmem>>) semaphore(%run_scoped3A : memref<!tpu.dma_semaphore, #tpu.memory_space<semaphore_mem>>) {add = true}
        %dma_wait3A_146 = arith.constant 0 : i32
        %dma_wait3A_147 = tpu.memref_slice %arg7[%add3A_78, %dma_wait3A_146] : memref<160x128xi32, #tpu.memory_space<vmem>> -> memref<1x128xi32, #tpu.memory_space<vmem>>
        %dma_wait3A_148 = tpu.memref_squeeze %dma_wait3A_147 : memref<1x128xi32, #tpu.memory_space<vmem>> -> memref<128xi32, #tpu.memory_space<vmem>>
        %dma_wait3A_149 = arith.constant 0 : i32
        %dma_wait3A_150 = arith.constant 0 : i32
        %dma_wait3A_151 = tpu.memref_slice %arg12[%dma_wait3A_149, %dma_wait3A_150] : memref<10112x64xf32, #tpu.memory_space<vmem_shared>> -> memref<10112x64xf32, #tpu.memory_space<vmem_shared>>
        tpu.wait_indirect_dma semaphore(%run_scoped3A : memref<!tpu.dma_semaphore, #tpu.memory_space<semaphore_mem>>) src(%arg8 : memref<128x64xf32, #tpu.memory_space<vmem>>) dst(%dma_wait3A_151 : memref<10112x64xf32, #tpu.memory_space<vmem_shared>>)
        tpu.yield
      }) : () -> ()
      %add3A_84 = arith.constant 4 : i32
      %add3A_85 = arith.addi %add3A_78, %add3A_84 : i32
      %lt3A = arith.constant 160 : i32
      %lt3A_86 = arith.cmpi slt, %add3A_85, %lt3A : i32
      %convert_element_type3A = arith.extui %lt3A_86 : i1 to i32
      %cond3A = arith.constant 0 : i32
      %cond3A_87 = arith.cmpi ne, %convert_element_type3A, %cond3A : i32
      scf.if %cond3A_87 {
        %dma_start3A_140 = arith.constant 0 : i32
        %dma_start3A_141 = tpu.memref_slice %arg6[%add3A_85, %dma_start3A_140] : memref<160x128xi32, #tpu.memory_space<vmem>> -> memref<1x128xi32, #tpu.memory_space<vmem>>
        %dma_start3A_142 = tpu.memref_squeeze %dma_start3A_141 : memref<1x128xi32, #tpu.memory_space<vmem>> -> memref<128xi32, #tpu.memory_space<vmem>>
        %dma_start3A_143 = arith.constant 0 : i32
        %dma_start3A_144 = arith.constant 0 : i32
        %dma_start3A_145 = tpu.memref_slice %arg4[%dma_start3A_143, %dma_start3A_144] : memref<20000x64xf32, #tpu.memory_space<hbm>> -> memref<20000x64xf32, #tpu.memory_space<hbm>>
        tpu.enqueue_indirect_dma source(%dma_start3A_145 : memref<20000x64xf32, #tpu.memory_space<hbm>>) target(%arg8 : memref<128x64xf32, #tpu.memory_space<vmem>>) offsets(%dma_start3A_142 : memref<128xi32, #tpu.memory_space<vmem>>) semaphore(%arg13 : memref<!tpu.dma_semaphore, #tpu.memory_space<semaphore_mem>>)
      } else {
      }
      %mul3A_88 = arith.constant 4 : i32
      %mul3A_89 = arith.muli %scan3A_73, %mul3A_88 : i32
      %add3A_90 = arith.constant 1 : i32
      %add3A_91 = arith.addi %mul3A_89, %add3A_90 : i32
      %dma_wait3A_92 = arith.constant 0 : i32
      %dma_wait3A_93 = tpu.memref_slice %arg6[%add3A_91, %dma_wait3A_92] : memref<160x128xi32, #tpu.memory_space<vmem>> -> memref<1x128xi32, #tpu.memory_space<vmem>>
      %dma_wait3A_94 = tpu.memref_squeeze %dma_wait3A_93 : memref<1x128xi32, #tpu.memory_space<vmem>> -> memref<128xi32, #tpu.memory_space<vmem>>
      %dma_wait3A_95 = arith.constant 0 : i32
      %dma_wait3A_96 = arith.constant 0 : i32
      %dma_wait3A_97 = tpu.memref_slice %arg4[%dma_wait3A_95, %dma_wait3A_96] : memref<20000x64xf32, #tpu.memory_space<hbm>> -> memref<20000x64xf32, #tpu.memory_space<hbm>>
      tpu.wait_indirect_dma semaphore(%arg14 : memref<!tpu.dma_semaphore, #tpu.memory_space<semaphore_mem>>) src(%dma_wait3A_97 : memref<20000x64xf32, #tpu.memory_space<hbm>>) dst(%arg9 : memref<128x64xf32, #tpu.memory_space<vmem>>)
      "tpu.region"() ({
        %run_scoped3A = tpu.sem_alloc : memref<!tpu.dma_semaphore, #tpu.memory_space<semaphore_mem>>
        %dma_start3A_140 = arith.constant 0 : i32
        %dma_start3A_141 = tpu.memref_slice %arg7[%add3A_91, %dma_start3A_140] : memref<160x128xi32, #tpu.memory_space<vmem>> -> memref<1x128xi32, #tpu.memory_space<vmem>>
        %dma_start3A_142 = tpu.memref_squeeze %dma_start3A_141 : memref<1x128xi32, #tpu.memory_space<vmem>> -> memref<128xi32, #tpu.memory_space<vmem>>
        %dma_start3A_143 = arith.constant 0 : i32
        %dma_start3A_144 = arith.constant 0 : i32
        %dma_start3A_145 = tpu.memref_slice %arg12[%dma_start3A_143, %dma_start3A_144] : memref<10112x64xf32, #tpu.memory_space<vmem_shared>> -> memref<10112x64xf32, #tpu.memory_space<vmem_shared>>
        tpu.enqueue_indirect_dma source(%arg9 : memref<128x64xf32, #tpu.memory_space<vmem>>) target(%dma_start3A_145 : memref<10112x64xf32, #tpu.memory_space<vmem_shared>>) offsets(%dma_start3A_142 : memref<128xi32, #tpu.memory_space<vmem>>) semaphore(%run_scoped3A : memref<!tpu.dma_semaphore, #tpu.memory_space<semaphore_mem>>) {add = true}
        %dma_wait3A_146 = arith.constant 0 : i32
        %dma_wait3A_147 = tpu.memref_slice %arg7[%add3A_91, %dma_wait3A_146] : memref<160x128xi32, #tpu.memory_space<vmem>> -> memref<1x128xi32, #tpu.memory_space<vmem>>
        %dma_wait3A_148 = tpu.memref_squeeze %dma_wait3A_147 : memref<1x128xi32, #tpu.memory_space<vmem>> -> memref<128xi32, #tpu.memory_space<vmem>>
        %dma_wait3A_149 = arith.constant 0 : i32
        %dma_wait3A_150 = arith.constant 0 : i32
        %dma_wait3A_151 = tpu.memref_slice %arg12[%dma_wait3A_149, %dma_wait3A_150] : memref<10112x64xf32, #tpu.memory_space<vmem_shared>> -> memref<10112x64xf32, #tpu.memory_space<vmem_shared>>
        tpu.wait_indirect_dma semaphore(%run_scoped3A : memref<!tpu.dma_semaphore, #tpu.memory_space<semaphore_mem>>) src(%arg9 : memref<128x64xf32, #tpu.memory_space<vmem>>) dst(%dma_wait3A_151 : memref<10112x64xf32, #tpu.memory_space<vmem_shared>>)
        tpu.yield
      }) : () -> ()
      %add3A_98 = arith.constant 4 : i32
      %add3A_99 = arith.addi %add3A_91, %add3A_98 : i32
      %lt3A_100 = arith.constant 160 : i32
      %lt3A_101 = arith.cmpi slt, %add3A_99, %lt3A_100 : i32
      %convert_element_type3A_102 = arith.extui %lt3A_101 : i1 to i32
      %cond3A_103 = arith.constant 0 : i32
      %cond3A_104 = arith.cmpi ne, %convert_element_type3A_102, %cond3A_103 : i32
      scf.if %cond3A_104 {
        %dma_start3A_140 = arith.constant 0 : i32
        %dma_start3A_141 = tpu.memref_slice %arg6[%add3A_99, %dma_start3A_140] : memref<160x128xi32, #tpu.memory_space<vmem>> -> memref<1x128xi32, #tpu.memory_space<vmem>>
        %dma_start3A_142 = tpu.memref_squeeze %dma_start3A_141 : memref<1x128xi32, #tpu.memory_space<vmem>> -> memref<128xi32, #tpu.memory_space<vmem>>
        %dma_start3A_143 = arith.constant 0 : i32
        %dma_start3A_144 = arith.constant 0 : i32
        %dma_start3A_145 = tpu.memref_slice %arg4[%dma_start3A_143, %dma_start3A_144] : memref<20000x64xf32, #tpu.memory_space<hbm>> -> memref<20000x64xf32, #tpu.memory_space<hbm>>
        tpu.enqueue_indirect_dma source(%dma_start3A_145 : memref<20000x64xf32, #tpu.memory_space<hbm>>) target(%arg9 : memref<128x64xf32, #tpu.memory_space<vmem>>) offsets(%dma_start3A_142 : memref<128xi32, #tpu.memory_space<vmem>>) semaphore(%arg14 : memref<!tpu.dma_semaphore, #tpu.memory_space<semaphore_mem>>)
      } else {
      }
      %mul3A_105 = arith.constant 4 : i32
      %mul3A_106 = arith.muli %scan3A_73, %mul3A_105 : i32
      %add3A_107 = arith.constant 2 : i32
      %add3A_108 = arith.addi %mul3A_106, %add3A_107 : i32
      %dma_wait3A_109 = arith.constant 0 : i32
      %dma_wait3A_110 = tpu.memref_slice %arg6[%add3A_108, %dma_wait3A_109] : memref<160x128xi32, #tpu.memory_space<vmem>> -> memref<1x128xi32, #tpu.memory_space<vmem>>
      %dma_wait3A_111 = tpu.memref_squeeze %dma_wait3A_110 : memref<1x128xi32, #tpu.memory_space<vmem>> -> memref<128xi32, #tpu.memory_space<vmem>>
      %dma_wait3A_112 = arith.constant 0 : i32
      %dma_wait3A_113 = arith.constant 0 : i32
      %dma_wait3A_114 = tpu.memref_slice %arg4[%dma_wait3A_112, %dma_wait3A_113] : memref<20000x64xf32, #tpu.memory_space<hbm>> -> memref<20000x64xf32, #tpu.memory_space<hbm>>
      tpu.wait_indirect_dma semaphore(%arg15 : memref<!tpu.dma_semaphore, #tpu.memory_space<semaphore_mem>>) src(%dma_wait3A_114 : memref<20000x64xf32, #tpu.memory_space<hbm>>) dst(%arg10 : memref<128x64xf32, #tpu.memory_space<vmem>>)
      "tpu.region"() ({
        %run_scoped3A = tpu.sem_alloc : memref<!tpu.dma_semaphore, #tpu.memory_space<semaphore_mem>>
        %dma_start3A_140 = arith.constant 0 : i32
        %dma_start3A_141 = tpu.memref_slice %arg7[%add3A_108, %dma_start3A_140] : memref<160x128xi32, #tpu.memory_space<vmem>> -> memref<1x128xi32, #tpu.memory_space<vmem>>
        %dma_start3A_142 = tpu.memref_squeeze %dma_start3A_141 : memref<1x128xi32, #tpu.memory_space<vmem>> -> memref<128xi32, #tpu.memory_space<vmem>>
        %dma_start3A_143 = arith.constant 0 : i32
        %dma_start3A_144 = arith.constant 0 : i32
        %dma_start3A_145 = tpu.memref_slice %arg12[%dma_start3A_143, %dma_start3A_144] : memref<10112x64xf32, #tpu.memory_space<vmem_shared>> -> memref<10112x64xf32, #tpu.memory_space<vmem_shared>>
        tpu.enqueue_indirect_dma source(%arg10 : memref<128x64xf32, #tpu.memory_space<vmem>>) target(%dma_start3A_145 : memref<10112x64xf32, #tpu.memory_space<vmem_shared>>) offsets(%dma_start3A_142 : memref<128xi32, #tpu.memory_space<vmem>>) semaphore(%run_scoped3A : memref<!tpu.dma_semaphore, #tpu.memory_space<semaphore_mem>>) {add = true}
        %dma_wait3A_146 = arith.constant 0 : i32
        %dma_wait3A_147 = tpu.memref_slice %arg7[%add3A_108, %dma_wait3A_146] : memref<160x128xi32, #tpu.memory_space<vmem>> -> memref<1x128xi32, #tpu.memory_space<vmem>>
        %dma_wait3A_148 = tpu.memref_squeeze %dma_wait3A_147 : memref<1x128xi32, #tpu.memory_space<vmem>> -> memref<128xi32, #tpu.memory_space<vmem>>
        %dma_wait3A_149 = arith.constant 0 : i32
        %dma_wait3A_150 = arith.constant 0 : i32
        %dma_wait3A_151 = tpu.memref_slice %arg12[%dma_wait3A_149, %dma_wait3A_150] : memref<10112x64xf32, #tpu.memory_space<vmem_shared>> -> memref<10112x64xf32, #tpu.memory_space<vmem_shared>>
        tpu.wait_indirect_dma semaphore(%run_scoped3A : memref<!tpu.dma_semaphore, #tpu.memory_space<semaphore_mem>>) src(%arg10 : memref<128x64xf32, #tpu.memory_space<vmem>>) dst(%dma_wait3A_151 : memref<10112x64xf32, #tpu.memory_space<vmem_shared>>)
        tpu.yield
      }) : () -> ()
      %add3A_115 = arith.constant 4 : i32
      %add3A_116 = arith.addi %add3A_108, %add3A_115 : i32
      %lt3A_117 = arith.constant 160 : i32
      %lt3A_118 = arith.cmpi slt, %add3A_116, %lt3A_117 : i32
      %convert_element_type3A_119 = arith.extui %lt3A_118 : i1 to i32
      %cond3A_120 = arith.constant 0 : i32
      %cond3A_121 = arith.cmpi ne, %convert_element_type3A_119, %cond3A_120 : i32
      scf.if %cond3A_121 {
        %dma_start3A_140 = arith.constant 0 : i32
        %dma_start3A_141 = tpu.memref_slice %arg6[%add3A_116, %dma_start3A_140] : memref<160x128xi32, #tpu.memory_space<vmem>> -> memref<1x128xi32, #tpu.memory_space<vmem>>
        %dma_start3A_142 = tpu.memref_squeeze %dma_start3A_141 : memref<1x128xi32, #tpu.memory_space<vmem>> -> memref<128xi32, #tpu.memory_space<vmem>>
        %dma_start3A_143 = arith.constant 0 : i32
        %dma_start3A_144 = arith.constant 0 : i32
        %dma_start3A_145 = tpu.memref_slice %arg4[%dma_start3A_143, %dma_start3A_144] : memref<20000x64xf32, #tpu.memory_space<hbm>> -> memref<20000x64xf32, #tpu.memory_space<hbm>>
        tpu.enqueue_indirect_dma source(%dma_start3A_145 : memref<20000x64xf32, #tpu.memory_space<hbm>>) target(%arg10 : memref<128x64xf32, #tpu.memory_space<vmem>>) offsets(%dma_start3A_142 : memref<128xi32, #tpu.memory_space<vmem>>) semaphore(%arg15 : memref<!tpu.dma_semaphore, #tpu.memory_space<semaphore_mem>>)
      } else {
      }
      %mul3A_122 = arith.constant 4 : i32
      %mul3A_123 = arith.muli %scan3A_73, %mul3A_122 : i32
      %add3A_124 = arith.constant 3 : i32
      %add3A_125 = arith.addi %mul3A_123, %add3A_124 : i32
      %dma_wait3A_126 = arith.constant 0 : i32
      %dma_wait3A_127 = tpu.memref_slice %arg6[%add3A_125, %dma_wait3A_126] : memref<160x128xi32, #tpu.memory_space<vmem>> -> memref<1x128xi32, #tpu.memory_space<vmem>>
      %dma_wait3A_128 = tpu.memref_squeeze %dma_wait3A_127 : memref<1x128xi32, #tpu.memory_space<vmem>> -> memref<128xi32, #tpu.memory_space<vmem>>
      %dma_wait3A_129 = arith.constant 0 : i32
      %dma_wait3A_130 = arith.constant 0 : i32
      %dma_wait3A_131 = tpu.memref_slice %arg4[%dma_wait3A_129, %dma_wait3A_130] : memref<20000x64xf32, #tpu.memory_space<hbm>> -> memref<20000x64xf32, #tpu.memory_space<hbm>>
      tpu.wait_indirect_dma semaphore(%arg16 : memref<!tpu.dma_semaphore, #tpu.memory_space<semaphore_mem>>) src(%dma_wait3A_131 : memref<20000x64xf32, #tpu.memory_space<hbm>>) dst(%arg11 : memref<128x64xf32, #tpu.memory_space<vmem>>)
      "tpu.region"() ({
        %run_scoped3A = tpu.sem_alloc : memref<!tpu.dma_semaphore, #tpu.memory_space<semaphore_mem>>
        %dma_start3A_140 = arith.constant 0 : i32
        %dma_start3A_141 = tpu.memref_slice %arg7[%add3A_125, %dma_start3A_140] : memref<160x128xi32, #tpu.memory_space<vmem>> -> memref<1x128xi32, #tpu.memory_space<vmem>>
        %dma_start3A_142 = tpu.memref_squeeze %dma_start3A_141 : memref<1x128xi32, #tpu.memory_space<vmem>> -> memref<128xi32, #tpu.memory_space<vmem>>
        %dma_start3A_143 = arith.constant 0 : i32
        %dma_start3A_144 = arith.constant 0 : i32
        %dma_start3A_145 = tpu.memref_slice %arg12[%dma_start3A_143, %dma_start3A_144] : memref<10112x64xf32, #tpu.memory_space<vmem_shared>> -> memref<10112x64xf32, #tpu.memory_space<vmem_shared>>
        tpu.enqueue_indirect_dma source(%arg11 : memref<128x64xf32, #tpu.memory_space<vmem>>) target(%dma_start3A_145 : memref<10112x64xf32, #tpu.memory_space<vmem_shared>>) offsets(%dma_start3A_142 : memref<128xi32, #tpu.memory_space<vmem>>) semaphore(%run_scoped3A : memref<!tpu.dma_semaphore, #tpu.memory_space<semaphore_mem>>) {add = true}
        %dma_wait3A_146 = arith.constant 0 : i32
        %dma_wait3A_147 = tpu.memref_slice %arg7[%add3A_125, %dma_wait3A_146] : memref<160x128xi32, #tpu.memory_space<vmem>> -> memref<1x128xi32, #tpu.memory_space<vmem>>
        %dma_wait3A_148 = tpu.memref_squeeze %dma_wait3A_147 : memref<1x128xi32, #tpu.memory_space<vmem>> -> memref<128xi32, #tpu.memory_space<vmem>>
        %dma_wait3A_149 = arith.constant 0 : i32
        %dma_wait3A_150 = arith.constant 0 : i32
        %dma_wait3A_151 = tpu.memref_slice %arg12[%dma_wait3A_149, %dma_wait3A_150] : memref<10112x64xf32, #tpu.memory_space<vmem_shared>> -> memref<10112x64xf32, #tpu.memory_space<vmem_shared>>
        tpu.wait_indirect_dma semaphore(%run_scoped3A : memref<!tpu.dma_semaphore, #tpu.memory_space<semaphore_mem>>) src(%arg11 : memref<128x64xf32, #tpu.memory_space<vmem>>) dst(%dma_wait3A_151 : memref<10112x64xf32, #tpu.memory_space<vmem_shared>>)
        tpu.yield
      }) : () -> ()
      %add3A_132 = arith.constant 4 : i32
      %add3A_133 = arith.addi %add3A_125, %add3A_132 : i32
      %lt3A_134 = arith.constant 160 : i32
      %lt3A_135 = arith.cmpi slt, %add3A_133, %lt3A_134 : i32
      %convert_element_type3A_136 = arith.extui %lt3A_135 : i1 to i32
      %cond3A_137 = arith.constant 0 : i32
      %cond3A_138 = arith.cmpi ne, %convert_element_type3A_136, %cond3A_137 : i32
      scf.if %cond3A_138 {
        %dma_start3A_140 = arith.constant 0 : i32
        %dma_start3A_141 = tpu.memref_slice %arg6[%add3A_133, %dma_start3A_140] : memref<160x128xi32, #tpu.memory_space<vmem>> -> memref<1x128xi32, #tpu.memory_space<vmem>>
        %dma_start3A_142 = tpu.memref_squeeze %dma_start3A_141 : memref<1x128xi32, #tpu.memory_space<vmem>> -> memref<128xi32, #tpu.memory_space<vmem>>
        %dma_start3A_143 = arith.constant 0 : i32
        %dma_start3A_144 = arith.constant 0 : i32
        %dma_start3A_145 = tpu.memref_slice %arg4[%dma_start3A_143, %dma_start3A_144] : memref<20000x64xf32, #tpu.memory_space<hbm>> -> memref<20000x64xf32, #tpu.memory_space<hbm>>
        tpu.enqueue_indirect_dma source(%dma_start3A_145 : memref<20000x64xf32, #tpu.memory_space<hbm>>) target(%arg11 : memref<128x64xf32, #tpu.memory_space<vmem>>) offsets(%dma_start3A_142 : memref<128xi32, #tpu.memory_space<vmem>>) semaphore(%arg16 : memref<!tpu.dma_semaphore, #tpu.memory_space<semaphore_mem>>)
      } else {
      }
      %scan3A_139 = arith.constant 0 : i32
      scf.yield %scan3A_139 : i32
    }
    %scan3A_57 = arith.constant 40 : i32
    %barrier3A_58 = arith.constant 0 : index
    tpu.barrier barrier_id(%barrier3A_58)
    %mul3A_59 = arith.constant 10112 : i32
    %mul3A_60 = arith.muli %arg0, %mul3A_59 : i32
    %add3A_61 = arith.addi %mul3A_60, %mul3A_15 : i32
    %scan3A_62 = arith.constant 0 : i32
    %scan3A_63 = arith.constant 0 : i32
    %scan3A_64 = arith.constant 4 : i32
    %scan3A_65 = arith.addi %scan3A_63, %scan3A_64 : i32
    %scan3A_66 = arith.constant 1 : i32
    %scan3A_67 = scf.for %scan3A_73 = %scan3A_63 to %scan3A_65 step %scan3A_66 iter_args(%scan3A_74 = %scan3A_62) -> (i32)  : i32 {
      %mul3A_75 = arith.constant 128 : i32
      %mul3A_76 = arith.muli %scan3A_73, %mul3A_75 : i32
      %add3A_77 = arith.addi %mul3A_15, %mul3A_76 : i32
      "tpu.region"() ({
        %run_scoped3A = tpu.sem_alloc : memref<!tpu.dma_semaphore, #tpu.memory_space<semaphore_mem>>
        %dma_start3A_82 = arith.constant 0 : i32
        %dma_start3A_83 = tpu.memref_slice %arg12[%add3A_77, %dma_start3A_82] : memref<10112x64xf32, #tpu.memory_space<vmem_shared>> -> memref<128x64xf32, #tpu.memory_space<vmem_shared>>
        %dma_start3A_84 = arith.constant 0 : i32
        %dma_start3A_85 = tpu.memref_slice %arg12[%add3A_77, %dma_start3A_84] : memref<10112x64xf32, #tpu.memory_space<vmem_shared>> -> memref<128x64xf32, #tpu.memory_space<vmem_shared>>
        tpu.enqueue_dma source(%dma_start3A_85 : memref<128x64xf32, #tpu.memory_space<vmem_shared>>) target(%arg8 : memref<128x64xf32, #tpu.memory_space<vmem>>) target_semaphore(%run_scoped3A : memref<!tpu.dma_semaphore, #tpu.memory_space<semaphore_mem>>)
        %dma_wait3A = arith.constant 0 : i32
        %dma_wait3A_86 = tpu.memref_slice %arg12[%add3A_77, %dma_wait3A] : memref<10112x64xf32, #tpu.memory_space<vmem_shared>> -> memref<128x64xf32, #tpu.memory_space<vmem_shared>>
        %dma_wait3A_87 = arith.constant 0 : i32
        %dma_wait3A_88 = tpu.memref_slice %arg12[%add3A_77, %dma_wait3A_87] : memref<10112x64xf32, #tpu.memory_space<vmem_shared>> -> memref<128x64xf32, #tpu.memory_space<vmem_shared>>
        tpu.wait_dma2 semaphore(%run_scoped3A : memref<!tpu.dma_semaphore, #tpu.memory_space<semaphore_mem>>) src(%dma_wait3A_88 : memref<128x64xf32, #tpu.memory_space<vmem_shared>>) dst(%arg8 : memref<128x64xf32, #tpu.memory_space<vmem>>)
        tpu.yield
      }) : () -> ()
      %mul3A_78 = arith.constant 128 : i32
      %mul3A_79 = arith.muli %scan3A_73, %mul3A_78 : i32
      %add3A_80 = arith.addi %add3A_61, %mul3A_79 : i32
      "tpu.region"() ({
        %run_scoped3A = tpu.sem_alloc : memref<!tpu.dma_semaphore, #tpu.memory_space<semaphore_mem>>
        %dma_start3A_82 = arith.constant 0 : i32
        %dma_start3A_83 = tpu.memref_slice %arg5[%add3A_80, %dma_start3A_82] : memref<20224x64xf32, #tpu.memory_space<hbm>> -> memref<128x64xf32, #tpu.memory_space<hbm>>
        %dma_start3A_84 = arith.constant 0 : i32
        %dma_start3A_85 = tpu.memref_slice %arg5[%add3A_80, %dma_start3A_84] : memref<20224x64xf32, #tpu.memory_space<hbm>> -> memref<128x64xf32, #tpu.memory_space<hbm>>
        tpu.enqueue_dma source(%arg8 : memref<128x64xf32, #tpu.memory_space<vmem>>) target(%dma_start3A_85 : memref<128x64xf32, #tpu.memory_space<hbm>>) target_semaphore(%run_scoped3A : memref<!tpu.dma_semaphore, #tpu.memory_space<semaphore_mem>>)
        %dma_wait3A = arith.constant 0 : i32
        %dma_wait3A_86 = tpu.memref_slice %arg5[%add3A_80, %dma_wait3A] : memref<20224x64xf32, #tpu.memory_space<hbm>> -> memref<128x64xf32, #tpu.memory_space<hbm>>
        %dma_wait3A_87 = arith.constant 0 : i32
        %dma_wait3A_88 = tpu.memref_slice %arg5[%add3A_80, %dma_wait3A_87] : memref<20224x64xf32, #tpu.memory_space<hbm>> -> memref<128x64xf32, #tpu.memory_space<hbm>>
        tpu.wait_dma2 semaphore(%run_scoped3A : memref<!tpu.dma_semaphore, #tpu.memory_space<semaphore_mem>>) src(%arg8 : memref<128x64xf32, #tpu.memory_space<vmem>>) dst(%dma_wait3A_88 : memref<128x64xf32, #tpu.memory_space<hbm>>)
        tpu.yield
      }) : () -> ()
      %scan3A_81 = arith.constant 0 : i32
      scf.yield %scan3A_81 : i32
    }
    %scan3A_68 = arith.constant 4 : i32
    %add3A_69 = arith.constant 512 : i32
    %add3A_70 = arith.addi %mul3A_15, %add3A_69 : i32
    "tpu.region"() ({
      %run_scoped3A = tpu.sem_alloc : memref<!tpu.dma_semaphore, #tpu.memory_space<semaphore_mem>>
      %dma_start3A_73 = arith.constant 0 : i32
      %dma_start3A_74 = arith.constant 0 : i32
      %dma_start3A_75 = tpu.memref_slice %arg8[%dma_start3A_73, %dma_start3A_74] : memref<128x64xf32, #tpu.memory_space<vmem>> -> memref<120x64xf32, #tpu.memory_space<vmem>>
      %dma_start3A_76 = arith.constant 0 : i32
      %dma_start3A_77 = tpu.memref_slice %arg12[%add3A_70, %dma_start3A_76] : memref<10112x64xf32, #tpu.memory_space<vmem_shared>> -> memref<120x64xf32, #tpu.memory_space<vmem_shared>>
      %dma_start3A_78 = arith.constant 0 : i32
      %dma_start3A_79 = arith.constant 0 : i32
      %dma_start3A_80 = tpu.memref_slice %arg8[%dma_start3A_78, %dma_start3A_79] : memref<128x64xf32, #tpu.memory_space<vmem>> -> memref<120x64xf32, #tpu.memory_space<vmem>>
      %dma_start3A_81 = arith.constant 0 : i32
      %dma_start3A_82 = tpu.memref_slice %arg12[%add3A_70, %dma_start3A_81] : memref<10112x64xf32, #tpu.memory_space<vmem_shared>> -> memref<120x64xf32, #tpu.memory_space<vmem_shared>>
      tpu.enqueue_dma source(%dma_start3A_82 : memref<120x64xf32, #tpu.memory_space<vmem_shared>>) target(%dma_start3A_80 : memref<120x64xf32, #tpu.memory_space<vmem>>) target_semaphore(%run_scoped3A : memref<!tpu.dma_semaphore, #tpu.memory_space<semaphore_mem>>)
      %dma_wait3A = arith.constant 0 : i32
      %dma_wait3A_83 = arith.constant 0 : i32
      %dma_wait3A_84 = tpu.memref_slice %arg8[%dma_wait3A, %dma_wait3A_83] : memref<128x64xf32, #tpu.memory_space<vmem>> -> memref<120x64xf32, #tpu.memory_space<vmem>>
      %dma_wait3A_85 = arith.constant 0 : i32
      %dma_wait3A_86 = tpu.memref_slice %arg12[%add3A_70, %dma_wait3A_85] : memref<10112x64xf32, #tpu.memory_space<vmem_shared>> -> memref<120x64xf32, #tpu.memory_space<vmem_shared>>
      %dma_wait3A_87 = arith.constant 0 : i32
      %dma_wait3A_88 = arith.constant 0 : i32
      %dma_wait3A_89 = tpu.memref_slice %arg8[%dma_wait3A_87, %dma_wait3A_88] : memref<128x64xf32, #tpu.memory_space<vmem>> -> memref<120x64xf32, #tpu.memory_space<vmem>>
      %dma_wait3A_90 = arith.constant 0 : i32
      %dma_wait3A_91 = tpu.memref_slice %arg12[%add3A_70, %dma_wait3A_90] : memref<10112x64xf32, #tpu.memory_space<vmem_shared>> -> memref<120x64xf32, #tpu.memory_space<vmem_shared>>
      tpu.wait_dma2 semaphore(%run_scoped3A : memref<!tpu.dma_semaphore, #tpu.memory_space<semaphore_mem>>) src(%dma_wait3A_91 : memref<120x64xf32, #tpu.memory_space<vmem_shared>>) dst(%dma_wait3A_89 : memref<120x64xf32, #tpu.memory_space<vmem>>)
      tpu.yield
    }) : () -> ()
    %add3A_71 = arith.constant 512 : i32
    %add3A_72 = arith.addi %add3A_61, %add3A_71 : i32
    "tpu.region"() ({
      %run_scoped3A = tpu.sem_alloc : memref<!tpu.dma_semaphore, #tpu.memory_space<semaphore_mem>>
      %dma_start3A_73 = arith.constant 0 : i32
      %dma_start3A_74 = arith.constant 0 : i32
      %dma_start3A_75 = tpu.memref_slice %arg8[%dma_start3A_73, %dma_start3A_74] : memref<128x64xf32, #tpu.memory_space<vmem>> -> memref<120x64xf32, #tpu.memory_space<vmem>>
      %dma_start3A_76 = arith.constant 0 : i32
      %dma_start3A_77 = tpu.memref_slice %arg5[%add3A_72, %dma_start3A_76] : memref<20224x64xf32, #tpu.memory_space<hbm>> -> memref<120x64xf32, #tpu.memory_space<hbm>>
      %dma_start3A_78 = arith.constant 0 : i32
      %dma_start3A_79 = tpu.memref_slice %arg5[%add3A_72, %dma_start3A_78] : memref<20224x64xf32, #tpu.memory_space<hbm>> -> memref<120x64xf32, #tpu.memory_space<hbm>>
      %dma_start3A_80 = arith.constant 0 : i32
      %dma_start3A_81 = arith.constant 0 : i32
      %dma_start3A_82 = tpu.memref_slice %arg8[%dma_start3A_80, %dma_start3A_81] : memref<128x64xf32, #tpu.memory_space<vmem>> -> memref<120x64xf32, #tpu.memory_space<vmem>>
      tpu.enqueue_dma source(%dma_start3A_82 : memref<120x64xf32, #tpu.memory_space<vmem>>) target(%dma_start3A_79 : memref<120x64xf32, #tpu.memory_space<hbm>>) target_semaphore(%run_scoped3A : memref<!tpu.dma_semaphore, #tpu.memory_space<semaphore_mem>>)
      %dma_wait3A = arith.constant 0 : i32
      %dma_wait3A_83 = arith.constant 0 : i32
      %dma_wait3A_84 = tpu.memref_slice %arg8[%dma_wait3A, %dma_wait3A_83] : memref<128x64xf32, #tpu.memory_space<vmem>> -> memref<120x64xf32, #tpu.memory_space<vmem>>
      %dma_wait3A_85 = arith.constant 0 : i32
      %dma_wait3A_86 = tpu.memref_slice %arg5[%add3A_72, %dma_wait3A_85] : memref<20224x64xf32, #tpu.memory_space<hbm>> -> memref<120x64xf32, #tpu.memory_space<hbm>>
      %dma_wait3A_87 = arith.constant 0 : i32
      %dma_wait3A_88 = tpu.memref_slice %arg5[%add3A_72, %dma_wait3A_87] : memref<20224x64xf32, #tpu.memory_space<hbm>> -> memref<120x64xf32, #tpu.memory_space<hbm>>
      %dma_wait3A_89 = arith.constant 0 : i32
      %dma_wait3A_90 = arith.constant 0 : i32
      %dma_wait3A_91 = tpu.memref_slice %arg8[%dma_wait3A_89, %dma_wait3A_90] : memref<128x64xf32, #tpu.memory_space<vmem>> -> memref<120x64xf32, #tpu.memory_space<vmem>>
      tpu.wait_dma2 semaphore(%run_scoped3A : memref<!tpu.dma_semaphore, #tpu.memory_space<semaphore_mem>>) src(%dma_wait3A_91 : memref<120x64xf32, #tpu.memory_space<vmem>>) dst(%dma_wait3A_88 : memref<120x64xf32, #tpu.memory_space<hbm>>)
      tpu.yield
    }) : () -> ()
    return
  }
}

#map = affine_map<(d0, d1) -> (0, 0, 0)>
#map1 = affine_map<(d0, d1) -> (0, 0)>
module attributes {stable_mosaic.version = 14 : i64} {
  func.func @seg_kernel(%arg0: i32, %arg1: i32, %arg2: memref<16x160x128xi32, #tpu.memory_space<hbm>>, %arg3: memref<16x160x128xi32, #tpu.memory_space<hbm>>, %arg4: memref<20000x64xf32, #tpu.memory_space<hbm>>, %arg5: memref<20224x64xf32, #tpu.memory_space<hbm>>, %arg6: memref<160x128xi32, #tpu.memory_space<vmem>>, %arg7: memref<160x128xi32, #tpu.memory_space<vmem>>, %arg8: memref<128x64xf32, #tpu.memory_space<vmem>>, %arg9: memref<128x64xf32, #tpu.memory_space<vmem>>, %arg10: memref<128x64xf32, #tpu.memory_space<vmem>>, %arg11: memref<128x64xf32, #tpu.memory_space<vmem>>, %arg12: memref<10112x64xf32, #tpu.memory_space<vmem_shared>>, %arg13: memref<!tpu.dma_semaphore, #tpu.memory_space<semaphore_mem>>, %arg14: memref<!tpu.dma_semaphore, #tpu.memory_space<semaphore_mem>>, %arg15: memref<!tpu.dma_semaphore, #tpu.memory_space<semaphore_mem>>, %arg16: memref<!tpu.dma_semaphore, #tpu.memory_space<semaphore_mem>>) attributes {dimension_semantics = [#tpu.dimension_semantics<core_parallel>, #tpu.dimension_semantics<subcore_parallel>], iteration_bounds = array<i64: 2, 16>, scalar_prefetch = 0 : i64, scratch_operands = 11 : i64, tpu.core_type = #tpu.core_type<sc_vector_subcore>, window_params = [{transform_indices = #map}, {transform_indices = #map}, {transform_indices = #map1}, {transform_indices = #map1}]} {
    "tpu.region"() ({
      %run_scoped3A = tpu.sem_alloc : memref<!tpu.dma_semaphore, #tpu.memory_space<semaphore_mem>>
      %dma_start3A_73 = arith.constant 0 : i32
      %dma_start3A_74 = arith.constant 0 : i32
      %dma_start3A_75 = tpu.memref_slice %arg2[%arg1, %dma_start3A_73, %dma_start3A_74] : memref<16x160x128xi32, #tpu.memory_space<hbm>> -> memref<1x160x128xi32, #tpu.memory_space<hbm>>
      %dma_start3A_76 = tpu.memref_squeeze %dma_start3A_75 : memref<1x160x128xi32, #tpu.memory_space<hbm>> -> memref<160x128xi32, #tpu.memory_space<hbm>>
      %dma_start3A_77 = arith.constant 0 : i32
      %dma_start3A_78 = arith.constant 0 : i32
      %dma_start3A_79 = tpu.memref_slice %arg2[%arg1, %dma_start3A_77, %dma_start3A_78] : memref<16x160x128xi32, #tpu.memory_space<hbm>> -> memref<1x160x128xi32, #tpu.memory_space<hbm>>
      %dma_start3A_80 = tpu.memref_squeeze %dma_start3A_79 : memref<1x160x128xi32, #tpu.memory_space<hbm>> -> memref<160x128xi32, #tpu.memory_space<hbm>>
      tpu.enqueue_dma source(%dma_start3A_80 : memref<160x128xi32, #tpu.memory_space<hbm>>) target(%arg6 : memref<160x128xi32, #tpu.memory_space<vmem>>) target_semaphore(%run_scoped3A : memref<!tpu.dma_semaphore, #tpu.memory_space<semaphore_mem>>)
      %dma_wait3A = arith.constant 0 : i32
      %dma_wait3A_81 = arith.constant 0 : i32
      %dma_wait3A_82 = tpu.memref_slice %arg2[%arg1, %dma_wait3A, %dma_wait3A_81] : memref<16x160x128xi32, #tpu.memory_space<hbm>> -> memref<1x160x128xi32, #tpu.memory_space<hbm>>
      %dma_wait3A_83 = tpu.memref_squeeze %dma_wait3A_82 : memref<1x160x128xi32, #tpu.memory_space<hbm>> -> memref<160x128xi32, #tpu.memory_space<hbm>>
      %dma_wait3A_84 = arith.constant 0 : i32
      %dma_wait3A_85 = arith.constant 0 : i32
      %dma_wait3A_86 = tpu.memref_slice %arg2[%arg1, %dma_wait3A_84, %dma_wait3A_85] : memref<16x160x128xi32, #tpu.memory_space<hbm>> -> memref<1x160x128xi32, #tpu.memory_space<hbm>>
      %dma_wait3A_87 = tpu.memref_squeeze %dma_wait3A_86 : memref<1x160x128xi32, #tpu.memory_space<hbm>> -> memref<160x128xi32, #tpu.memory_space<hbm>>
      tpu.wait_dma2 semaphore(%run_scoped3A : memref<!tpu.dma_semaphore, #tpu.memory_space<semaphore_mem>>) src(%dma_wait3A_87 : memref<160x128xi32, #tpu.memory_space<hbm>>) dst(%arg6 : memref<160x128xi32, #tpu.memory_space<vmem>>)
      tpu.yield
    }) : () -> ()
    "tpu.region"() ({
      %run_scoped3A = tpu.sem_alloc : memref<!tpu.dma_semaphore, #tpu.memory_space<semaphore_mem>>
      %dma_start3A_73 = arith.constant 0 : i32
      %dma_start3A_74 = arith.constant 0 : i32
      %dma_start3A_75 = tpu.memref_slice %arg3[%arg1, %dma_start3A_73, %dma_start3A_74] : memref<16x160x128xi32, #tpu.memory_space<hbm>> -> memref<1x160x128xi32, #tpu.memory_space<hbm>>
      %dma_start3A_76 = tpu.memref_squeeze %dma_start3A_75 : memref<1x160x128xi32, #tpu.memory_space<hbm>> -> memref<160x128xi32, #tpu.memory_space<hbm>>
      %dma_start3A_77 = arith.constant 0 : i32
      %dma_start3A_78 = arith.constant 0 : i32
      %dma_start3A_79 = tpu.memref_slice %arg3[%arg1, %dma_start3A_77, %dma_start3A_78] : memref<16x160x128xi32, #tpu.memory_space<hbm>> -> memref<1x160x128xi32, #tpu.memory_space<hbm>>
      %dma_start3A_80 = tpu.memref_squeeze %dma_start3A_79 : memref<1x160x128xi32, #tpu.memory_space<hbm>> -> memref<160x128xi32, #tpu.memory_space<hbm>>
      tpu.enqueue_dma source(%dma_start3A_80 : memref<160x128xi32, #tpu.memory_space<hbm>>) target(%arg7 : memref<160x128xi32, #tpu.memory_space<vmem>>) target_semaphore(%run_scoped3A : memref<!tpu.dma_semaphore, #tpu.memory_space<semaphore_mem>>)
      %dma_wait3A = arith.constant 0 : i32
      %dma_wait3A_81 = arith.constant 0 : i32
      %dma_wait3A_82 = tpu.memref_slice %arg3[%arg1, %dma_wait3A, %dma_wait3A_81] : memref<16x160x128xi32, #tpu.memory_space<hbm>> -> memref<1x160x128xi32, #tpu.memory_space<hbm>>
      %dma_wait3A_83 = tpu.memref_squeeze %dma_wait3A_82 : memref<1x160x128xi32, #tpu.memory_space<hbm>> -> memref<160x128xi32, #tpu.memory_space<hbm>>
      %dma_wait3A_84 = arith.constant 0 : i32
      %dma_wait3A_85 = arith.constant 0 : i32
      %dma_wait3A_86 = tpu.memref_slice %arg3[%arg1, %dma_wait3A_84, %dma_wait3A_85] : memref<16x160x128xi32, #tpu.memory_space<hbm>> -> memref<1x160x128xi32, #tpu.memory_space<hbm>>
      %dma_wait3A_87 = tpu.memref_squeeze %dma_wait3A_86 : memref<1x160x128xi32, #tpu.memory_space<hbm>> -> memref<160x128xi32, #tpu.memory_space<hbm>>
      tpu.wait_dma2 semaphore(%run_scoped3A : memref<!tpu.dma_semaphore, #tpu.memory_space<semaphore_mem>>) src(%dma_wait3A_87 : memref<160x128xi32, #tpu.memory_space<hbm>>) dst(%arg7 : memref<160x128xi32, #tpu.memory_space<vmem>>)
      tpu.yield
    }) : () -> ()
    %mul3A = arith.constant 10000 : i32
    %mul3A_0 = arith.muli %arg0, %mul3A : i32
    %broadcast_in_dim3A = vector.broadcast %mul3A_0 : i32 to vector<16xi32>
    %scan3A = arith.constant 0 : i32
    %scan3A_1 = arith.constant 0 : i32
    %scan3A_2 = arith.constant 160 : i32
    %scan3A_3 = arith.addi %scan3A_1, %scan3A_2 : i32
    %scan3A_4 = arith.constant 1 : i32
    %scan3A_5 = scf.for %scan3A_73 = %scan3A_1 to %scan3A_3 step %scan3A_4 iter_args(%scan3A_74 = %scan3A) -> (i32)  : i32 {
      %get3A = arith.index_cast %scan3A_73 : i32 to index
      %get3A_75 = arith.constant 0 : index
      %get3A_76 = tpu.vector_load %arg6[%get3A, %get3A_75] {strides = array<i32>} : memref<160x128xi32, #tpu.memory_space<vmem>>, vector<1x16xi32>,
      %get3A_77 = vector.shape_cast %get3A_76 : vector<1x16xi32> to vector<16xi32>
      %add3A_78 = arith.addi %get3A_77, %broadcast_in_dim3A : vector<16xi32>
      %swap3A = arith.index_cast %scan3A_73 : i32 to index
      %swap3A_79 = arith.constant 0 : index
      %swap3A_80 = tpu.vector_load %arg6[%swap3A, %swap3A_79] {strides = array<i32>} : memref<160x128xi32, #tpu.memory_space<vmem>>, vector<1x16xi32>,
      %swap3A_81 = vector.shape_cast %swap3A_80 : vector<1x16xi32> to vector<16xi32>
      %swap3A_82 = vector.shape_cast %add3A_78 : vector<16xi32> to vector<1x16xi32>
      tpu.vector_store %arg6[%swap3A, %swap3A_79], %swap3A_82 {strides = array<i32>} : memref<160x128xi32, #tpu.memory_space<vmem>>, vector<1x16xi32>,
      %get3A_83 = arith.index_cast %scan3A_73 : i32 to index
      %get3A_84 = arith.constant 16 : index
      %get3A_85 = tpu.vector_load %arg6[%get3A_83, %get3A_84] {strides = array<i32>} : memref<160x128xi32, #tpu.memory_space<vmem>>, vector<1x16xi32>,
      %get3A_86 = vector.shape_cast %get3A_85 : vector<1x16xi32> to vector<16xi32>
      %add3A_87 = arith.addi %get3A_86, %broadcast_in_dim3A : vector<16xi32>
      %swap3A_88 = arith.index_cast %scan3A_73 : i32 to index
      %swap3A_89 = arith.constant 16 : index
      %swap3A_90 = tpu.vector_load %arg6[%swap3A_88, %swap3A_89] {strides = array<i32>} : memref<160x128xi32, #tpu.memory_space<vmem>>, vector<1x16xi32>,
      %swap3A_91 = vector.shape_cast %swap3A_90 : vector<1x16xi32> to vector<16xi32>
      %swap3A_92 = vector.shape_cast %add3A_87 : vector<16xi32> to vector<1x16xi32>
      tpu.vector_store %arg6[%swap3A_88, %swap3A_89], %swap3A_92 {strides = array<i32>} : memref<160x128xi32, #tpu.memory_space<vmem>>, vector<1x16xi32>,
      %get3A_93 = arith.index_cast %scan3A_73 : i32 to index
      %get3A_94 = arith.constant 32 : index
      %get3A_95 = tpu.vector_load %arg6[%get3A_93, %get3A_94] {strides = array<i32>} : memref<160x128xi32, #tpu.memory_space<vmem>>, vector<1x16xi32>,
      %get3A_96 = vector.shape_cast %get3A_95 : vector<1x16xi32> to vector<16xi32>
      %add3A_97 = arith.addi %get3A_96, %broadcast_in_dim3A : vector<16xi32>
      %swap3A_98 = arith.index_cast %scan3A_73 : i32 to index
      %swap3A_99 = arith.constant 32 : index
      %swap3A_100 = tpu.vector_load %arg6[%swap3A_98, %swap3A_99] {strides = array<i32>} : memref<160x128xi32, #tpu.memory_space<vmem>>, vector<1x16xi32>,
      %swap3A_101 = vector.shape_cast %swap3A_100 : vector<1x16xi32> to vector<16xi32>
      %swap3A_102 = vector.shape_cast %add3A_97 : vector<16xi32> to vector<1x16xi32>
      tpu.vector_store %arg6[%swap3A_98, %swap3A_99], %swap3A_102 {strides = array<i32>} : memref<160x128xi32, #tpu.memory_space<vmem>>, vector<1x16xi32>,
      %get3A_103 = arith.index_cast %scan3A_73 : i32 to index
      %get3A_104 = arith.constant 48 : index
      %get3A_105 = tpu.vector_load %arg6[%get3A_103, %get3A_104] {strides = array<i32>} : memref<160x128xi32, #tpu.memory_space<vmem>>, vector<1x16xi32>,
      %get3A_106 = vector.shape_cast %get3A_105 : vector<1x16xi32> to vector<16xi32>
      %add3A_107 = arith.addi %get3A_106, %broadcast_in_dim3A : vector<16xi32>
      %swap3A_108 = arith.index_cast %scan3A_73 : i32 to index
      %swap3A_109 = arith.constant 48 : index
      %swap3A_110 = tpu.vector_load %arg6[%swap3A_108, %swap3A_109] {strides = array<i32>} : memref<160x128xi32, #tpu.memory_space<vmem>>, vector<1x16xi32>,
      %swap3A_111 = vector.shape_cast %swap3A_110 : vector<1x16xi32> to vector<16xi32>
      %swap3A_112 = vector.shape_cast %add3A_107 : vector<16xi32> to vector<1x16xi32>
      tpu.vector_store %arg6[%swap3A_108, %swap3A_109], %swap3A_112 {strides = array<i32>} : memref<160x128xi32, #tpu.memory_space<vmem>>, vector<1x16xi32>,
      %get3A_113 = arith.index_cast %scan3A_73 : i32 to index
      %get3A_114 = arith.constant 64 : index
      %get3A_115 = tpu.vector_load %arg6[%get3A_113, %get3A_114] {strides = array<i32>} : memref<160x128xi32, #tpu.memory_space<vmem>>, vector<1x16xi32>,
      %get3A_116 = vector.shape_cast %get3A_115 : vector<1x16xi32> to vector<16xi32>
      %add3A_117 = arith.addi %get3A_116, %broadcast_in_dim3A : vector<16xi32>
      %swap3A_118 = arith.index_cast %scan3A_73 : i32 to index
      %swap3A_119 = arith.constant 64 : index
      %swap3A_120 = tpu.vector_load %arg6[%swap3A_118, %swap3A_119] {strides = array<i32>} : memref<160x128xi32, #tpu.memory_space<vmem>>, vector<1x16xi32>,
      %swap3A_121 = vector.shape_cast %swap3A_120 : vector<1x16xi32> to vector<16xi32>
      %swap3A_122 = vector.shape_cast %add3A_117 : vector<16xi32> to vector<1x16xi32>
      tpu.vector_store %arg6[%swap3A_118, %swap3A_119], %swap3A_122 {strides = array<i32>} : memref<160x128xi32, #tpu.memory_space<vmem>>, vector<1x16xi32>,
      %get3A_123 = arith.index_cast %scan3A_73 : i32 to index
      %get3A_124 = arith.constant 80 : index
      %get3A_125 = tpu.vector_load %arg6[%get3A_123, %get3A_124] {strides = array<i32>} : memref<160x128xi32, #tpu.memory_space<vmem>>, vector<1x16xi32>,
      %get3A_126 = vector.shape_cast %get3A_125 : vector<1x16xi32> to vector<16xi32>
      %add3A_127 = arith.addi %get3A_126, %broadcast_in_dim3A : vector<16xi32>
      %swap3A_128 = arith.index_cast %scan3A_73 : i32 to index
      %swap3A_129 = arith.constant 80 : index
      %swap3A_130 = tpu.vector_load %arg6[%swap3A_128, %swap3A_129] {strides = array<i32>} : memref<160x128xi32, #tpu.memory_space<vmem>>, vector<1x16xi32>,
      %swap3A_131 = vector.shape_cast %swap3A_130 : vector<1x16xi32> to vector<16xi32>
      %swap3A_132 = vector.shape_cast %add3A_127 : vector<16xi32> to vector<1x16xi32>
      tpu.vector_store %arg6[%swap3A_128, %swap3A_129], %swap3A_132 {strides = array<i32>} : memref<160x128xi32, #tpu.memory_space<vmem>>, vector<1x16xi32>,
      %get3A_133 = arith.index_cast %scan3A_73 : i32 to index
      %get3A_134 = arith.constant 96 : index
      %get3A_135 = tpu.vector_load %arg6[%get3A_133, %get3A_134] {strides = array<i32>} : memref<160x128xi32, #tpu.memory_space<vmem>>, vector<1x16xi32>,
      %get3A_136 = vector.shape_cast %get3A_135 : vector<1x16xi32> to vector<16xi32>
      %add3A_137 = arith.addi %get3A_136, %broadcast_in_dim3A : vector<16xi32>
      %swap3A_138 = arith.index_cast %scan3A_73 : i32 to index
      %swap3A_139 = arith.constant 96 : index
      %swap3A_140 = tpu.vector_load %arg6[%swap3A_138, %swap3A_139] {strides = array<i32>} : memref<160x128xi32, #tpu.memory_space<vmem>>, vector<1x16xi32>,
      %swap3A_141 = vector.shape_cast %swap3A_140 : vector<1x16xi32> to vector<16xi32>
      %swap3A_142 = vector.shape_cast %add3A_137 : vector<16xi32> to vector<1x16xi32>
      tpu.vector_store %arg6[%swap3A_138, %swap3A_139], %swap3A_142 {strides = array<i32>} : memref<160x128xi32, #tpu.memory_space<vmem>>, vector<1x16xi32>,
      %get3A_143 = arith.index_cast %scan3A_73 : i32 to index
      %get3A_144 = arith.constant 112 : index
      %get3A_145 = tpu.vector_load %arg6[%get3A_143, %get3A_144] {strides = array<i32>} : memref<160x128xi32, #tpu.memory_space<vmem>>, vector<1x16xi32>,
      %get3A_146 = vector.shape_cast %get3A_145 : vector<1x16xi32> to vector<16xi32>
      %add3A_147 = arith.addi %get3A_146, %broadcast_in_dim3A : vector<16xi32>
      %swap3A_148 = arith.index_cast %scan3A_73 : i32 to index
      %swap3A_149 = arith.constant 112 : index
      %swap3A_150 = tpu.vector_load %arg6[%swap3A_148, %swap3A_149] {strides = array<i32>} : memref<160x128xi32, #tpu.memory_space<vmem>>, vector<1x16xi32>,
      %swap3A_151 = vector.shape_cast %swap3A_150 : vector<1x16xi32> to vector<16xi32>
      %swap3A_152 = vector.shape_cast %add3A_147 : vector<16xi32> to vector<1x16xi32>
      tpu.vector_store %arg6[%swap3A_148, %swap3A_149], %swap3A_152 {strides = array<i32>} : memref<160x128xi32, #tpu.memory_space<vmem>>, vector<1x16xi32>,
      %scan3A_153 = arith.constant 0 : i32
      scf.yield %scan3A_153 : i32
    }
    %scan3A_6 = arith.constant 160 : i32
    %scan3A_7 = arith.constant 0 : i32
    %scan3A_8 = arith.constant 0 : i32
    %scan3A_9 = arith.constant 128 : i32
    %scan3A_10 = arith.addi %scan3A_8, %scan3A_9 : i32
    %scan3A_11 = arith.constant 1 : i32
    %scan3A_12 = scf.for %scan3A_73 = %scan3A_8 to %scan3A_10 step %scan3A_11 iter_args(%scan3A_74 = %scan3A_7) -> (i32)  : i32 {
      %broadcast_in_dim3A_75 = arith.constant 0.000000e+00 : f32
      %broadcast_in_dim3A_76 = vector.broadcast %broadcast_in_dim3A_75 : f32 to vector<16xf32>
      %swap3A = arith.index_cast %scan3A_73 : i32 to index
      %swap3A_77 = arith.constant 0 : index
      %swap3A_78 = tpu.vector_load %arg8[%swap3A, %swap3A_77] {strides = array<i32>} : memref<128x64xf32, #tpu.memory_space<vmem>>, vector<1x16xf32>,
      %swap3A_79 = vector.shape_cast %swap3A_78 : vector<1x16xf32> to vector<16xf32>
      %swap3A_80 = vector.shape_cast %broadcast_in_dim3A_76 : vector<16xf32> to vector<1x16xf32>
      tpu.vector_store %arg8[%swap3A, %swap3A_77], %swap3A_80 {strides = array<i32>} : memref<128x64xf32, #tpu.memory_space<vmem>>, vector<1x16xf32>,
      %broadcast_in_dim3A_81 = arith.constant 0.000000e+00 : f32
      %broadcast_in_dim3A_82 = vector.broadcast %broadcast_in_dim3A_81 : f32 to vector<16xf32>
      %swap3A_83 = arith.index_cast %scan3A_73 : i32 to index
      %swap3A_84 = arith.constant 16 : index
      %swap3A_85 = tpu.vector_load %arg8[%swap3A_83, %swap3A_84] {strides = array<i32>} : memref<128x64xf32, #tpu.memory_space<vmem>>, vector<1x16xf32>,
      %swap3A_86 = vector.shape_cast %swap3A_85 : vector<1x16xf32> to vector<16xf32>
      %swap3A_87 = vector.shape_cast %broadcast_in_dim3A_82 : vector<16xf32> to vector<1x16xf32>
      tpu.vector_store %arg8[%swap3A_83, %swap3A_84], %swap3A_87 {strides = array<i32>} : memref<128x64xf32, #tpu.memory_space<vmem>>, vector<1x16xf32>,
      %broadcast_in_dim3A_88 = arith.constant 0.000000e+00 : f32
      %broadcast_in_dim3A_89 = vector.broadcast %broadcast_in_dim3A_88 : f32 to vector<16xf32>
      %swap3A_90 = arith.index_cast %scan3A_73 : i32 to index
      %swap3A_91 = arith.constant 32 : index
      %swap3A_92 = tpu.vector_load %arg8[%swap3A_90, %swap3A_91] {strides = array<i32>} : memref<128x64xf32, #tpu.memory_space<vmem>>, vector<1x16xf32>,
      %swap3A_93 = vector.shape_cast %swap3A_92 : vector<1x16xf32> to vector<16xf32>
      %swap3A_94 = vector.shape_cast %broadcast_in_dim3A_89 : vector<16xf32> to vector<1x16xf32>
      tpu.vector_store %arg8[%swap3A_90, %swap3A_91], %swap3A_94 {strides = array<i32>} : memref<128x64xf32, #tpu.memory_space<vmem>>, vector<1x16xf32>,
      %broadcast_in_dim3A_95 = arith.constant 0.000000e+00 : f32
      %broadcast_in_dim3A_96 = vector.broadcast %broadcast_in_dim3A_95 : f32 to vector<16xf32>
      %swap3A_97 = arith.index_cast %scan3A_73 : i32 to index
      %swap3A_98 = arith.constant 48 : index
      %swap3A_99 = tpu.vector_load %arg8[%swap3A_97, %swap3A_98] {strides = array<i32>} : memref<128x64xf32, #tpu.memory_space<vmem>>, vector<1x16xf32>,
      %swap3A_100 = vector.shape_cast %swap3A_99 : vector<1x16xf32> to vector<16xf32>
      %swap3A_101 = vector.shape_cast %broadcast_in_dim3A_96 : vector<16xf32> to vector<1x16xf32>
      tpu.vector_store %arg8[%swap3A_97, %swap3A_98], %swap3A_101 {strides = array<i32>} : memref<128x64xf32, #tpu.memory_space<vmem>>, vector<1x16xf32>,
      %scan3A_102 = arith.constant 0 : i32
      scf.yield %scan3A_102 : i32
    }
    %scan3A_13 = arith.constant 128 : i32
    %mul3A_14 = arith.constant 632 : i32
    %mul3A_15 = arith.muli %arg1, %mul3A_14 : i32
    %scan3A_16 = arith.constant 0 : i32
    %scan3A_17 = arith.constant 0 : i32
    %scan3A_18 = arith.constant 4 : i32
    %scan3A_19 = arith.addi %scan3A_17, %scan3A_18 : i32
    %scan3A_20 = arith.constant 1 : i32
    %scan3A_21 = scf.for %scan3A_73 = %scan3A_17 to %scan3A_19 step %scan3A_20 iter_args(%scan3A_74 = %scan3A_16) -> (i32)  : i32 {
      %mul3A_75 = arith.constant 128 : i32
      %mul3A_76 = arith.muli %scan3A_73, %mul3A_75 : i32
      %add3A_77 = arith.addi %mul3A_15, %mul3A_76 : i32
      "tpu.region"() ({
        %run_scoped3A = tpu.sem_alloc : memref<!tpu.dma_semaphore, #tpu.memory_space<semaphore_mem>>
        %dma_start3A_79 = arith.constant 0 : i32
        %dma_start3A_80 = tpu.memref_slice %arg12[%add3A_77, %dma_start3A_79] : memref<10112x64xf32, #tpu.memory_space<vmem_shared>> -> memref<128x64xf32, #tpu.memory_space<vmem_shared>>
        %dma_start3A_81 = arith.constant 0 : i32
        %dma_start3A_82 = tpu.memref_slice %arg12[%add3A_77, %dma_start3A_81] : memref<10112x64xf32, #tpu.memory_space<vmem_shared>> -> memref<128x64xf32, #tpu.memory_space<vmem_shared>>
        tpu.enqueue_dma source(%arg8 : memref<128x64xf32, #tpu.memory_space<vmem>>) target(%dma_start3A_82 : memref<128x64xf32, #tpu.memory_space<vmem_shared>>) target_semaphore(%run_scoped3A : memref<!tpu.dma_semaphore, #tpu.memory_space<semaphore_mem>>)
        %dma_wait3A = arith.constant 0 : i32
        %dma_wait3A_83 = tpu.memref_slice %arg12[%add3A_77, %dma_wait3A] : memref<10112x64xf32, #tpu.memory_space<vmem_shared>> -> memref<128x64xf32, #tpu.memory_space<vmem_shared>>
        %dma_wait3A_84 = arith.constant 0 : i32
        %dma_wait3A_85 = tpu.memref_slice %arg12[%add3A_77, %dma_wait3A_84] : memref<10112x64xf32, #tpu.memory_space<vmem_shared>> -> memref<128x64xf32, #tpu.memory_space<vmem_shared>>
        tpu.wait_dma2 semaphore(%run_scoped3A : memref<!tpu.dma_semaphore, #tpu.memory_space<semaphore_mem>>) src(%arg8 : memref<128x64xf32, #tpu.memory_space<vmem>>) dst(%dma_wait3A_85 : memref<128x64xf32, #tpu.memory_space<vmem_shared>>)
        tpu.yield
      }) : () -> ()
      %scan3A_78 = arith.constant 0 : i32
      scf.yield %scan3A_78 : i32
    }
    %scan3A_22 = arith.constant 4 : i32
    %add3A = arith.constant 512 : i32
    %add3A_23 = arith.addi %mul3A_15, %add3A : i32
    "tpu.region"() ({
      %run_scoped3A = tpu.sem_alloc : memref<!tpu.dma_semaphore, #tpu.memory_space<semaphore_mem>>
      %dma_start3A_73 = arith.constant 0 : i32
      %dma_start3A_74 = arith.constant 0 : i32
      %dma_start3A_75 = tpu.memref_slice %arg8[%dma_start3A_73, %dma_start3A_74] : memref<128x64xf32, #tpu.memory_space<vmem>> -> memref<120x64xf32, #tpu.memory_space<vmem>>
      %dma_start3A_76 = arith.constant 0 : i32
      %dma_start3A_77 = tpu.memref_slice %arg12[%add3A_23, %dma_start3A_76] : memref<10112x64xf32, #tpu.memory_space<vmem_shared>> -> memref<120x64xf32, #tpu.memory_space<vmem_shared>>
      %dma_start3A_78 = arith.constant 0 : i32
      %dma_start3A_79 = tpu.memref_slice %arg12[%add3A_23, %dma_start3A_78] : memref<10112x64xf32, #tpu.memory_space<vmem_shared>> -> memref<120x64xf32, #tpu.memory_space<vmem_shared>>
      %dma_start3A_80 = arith.constant 0 : i32
      %dma_start3A_81 = arith.constant 0 : i32
      %dma_start3A_82 = tpu.memref_slice %arg8[%dma_start3A_80, %dma_start3A_81] : memref<128x64xf32, #tpu.memory_space<vmem>> -> memref<120x64xf32, #tpu.memory_space<vmem>>
      tpu.enqueue_dma source(%dma_start3A_82 : memref<120x64xf32, #tpu.memory_space<vmem>>) target(%dma_start3A_79 : memref<120x64xf32, #tpu.memory_space<vmem_shared>>) target_semaphore(%run_scoped3A : memref<!tpu.dma_semaphore, #tpu.memory_space<semaphore_mem>>)
      %dma_wait3A = arith.constant 0 : i32
      %dma_wait3A_83 = arith.constant 0 : i32
      %dma_wait3A_84 = tpu.memref_slice %arg8[%dma_wait3A, %dma_wait3A_83] : memref<128x64xf32, #tpu.memory_space<vmem>> -> memref<120x64xf32, #tpu.memory_space<vmem>>
      %dma_wait3A_85 = arith.constant 0 : i32
      %dma_wait3A_86 = tpu.memref_slice %arg12[%add3A_23, %dma_wait3A_85] : memref<10112x64xf32, #tpu.memory_space<vmem_shared>> -> memref<120x64xf32, #tpu.memory_space<vmem_shared>>
      %dma_wait3A_87 = arith.constant 0 : i32
      %dma_wait3A_88 = tpu.memref_slice %arg12[%add3A_23, %dma_wait3A_87] : memref<10112x64xf32, #tpu.memory_space<vmem_shared>> -> memref<120x64xf32, #tpu.memory_space<vmem_shared>>
      %dma_wait3A_89 = arith.constant 0 : i32
      %dma_wait3A_90 = arith.constant 0 : i32
      %dma_wait3A_91 = tpu.memref_slice %arg8[%dma_wait3A_89, %dma_wait3A_90] : memref<128x64xf32, #tpu.memory_space<vmem>> -> memref<120x64xf32, #tpu.memory_space<vmem>>
      tpu.wait_dma2 semaphore(%run_scoped3A : memref<!tpu.dma_semaphore, #tpu.memory_space<semaphore_mem>>) src(%dma_wait3A_91 : memref<120x64xf32, #tpu.memory_space<vmem>>) dst(%dma_wait3A_88 : memref<120x64xf32, #tpu.memory_space<vmem_shared>>)
      tpu.yield
    }) : () -> ()
    %barrier3A = arith.constant 0 : index
    tpu.barrier barrier_id(%barrier3A)
    %dma_start3A = arith.constant 0 : i32
    %dma_start3A_24 = arith.constant 0 : i32
    %dma_start3A_25 = tpu.memref_slice %arg6[%dma_start3A, %dma_start3A_24] : memref<160x128xi32, #tpu.memory_space<vmem>> -> memref<1x128xi32, #tpu.memory_space<vmem>>
    %dma_start3A_26 = tpu.memref_squeeze %dma_start3A_25 : memref<1x128xi32, #tpu.memory_space<vmem>> -> memref<128xi32, #tpu.memory_space<vmem>>
    %dma_start3A_27 = arith.constant 0 : i32
    %dma_start3A_28 = arith.constant 0 : i32
    %dma_start3A_29 = tpu.memref_slice %arg4[%dma_start3A_27, %dma_start3A_28] : memref<20000x64xf32, #tpu.memory_space<hbm>> -> memref<20000x64xf32, #tpu.memory_space<hbm>>
    tpu.enqueue_indirect_dma source(%dma_start3A_29 : memref<20000x64xf32, #tpu.memory_space<hbm>>) target(%arg8 : memref<128x64xf32, #tpu.memory_space<vmem>>) offsets(%dma_start3A_26 : memref<128xi32, #tpu.memory_space<vmem>>) semaphore(%arg13 : memref<!tpu.dma_semaphore, #tpu.memory_space<semaphore_mem>>)
    %dma_start3A_30 = arith.constant 1 : i32
    %dma_start3A_31 = arith.constant 0 : i32
    %dma_start3A_32 = tpu.memref_slice %arg6[%dma_start3A_30, %dma_start3A_31] : memref<160x128xi32, #tpu.memory_space<vmem>> -> memref<1x128xi32, #tpu.memory_space<vmem>>
    %dma_start3A_33 = tpu.memref_squeeze %dma_start3A_32 : memref<1x128xi32, #tpu.memory_space<vmem>> -> memref<128xi32, #tpu.memory_space<vmem>>
    %dma_start3A_34 = arith.constant 0 : i32
    %dma_start3A_35 = arith.constant 0 : i32
    %dma_start3A_36 = tpu.memref_slice %arg4[%dma_start3A_34, %dma_start3A_35] : memref<20000x64xf32, #tpu.memory_space<hbm>> -> memref<20000x64xf32, #tpu.memory_space<hbm>>
    tpu.enqueue_indirect_dma source(%dma_start3A_36 : memref<20000x64xf32, #tpu.memory_space<hbm>>) target(%arg9 : memref<128x64xf32, #tpu.memory_space<vmem>>) offsets(%dma_start3A_33 : memref<128xi32, #tpu.memory_space<vmem>>) semaphore(%arg14 : memref<!tpu.dma_semaphore, #tpu.memory_space<semaphore_mem>>)
    %dma_start3A_37 = arith.constant 2 : i32
    %dma_start3A_38 = arith.constant 0 : i32
    %dma_start3A_39 = tpu.memref_slice %arg6[%dma_start3A_37, %dma_start3A_38] : memref<160x128xi32, #tpu.memory_space<vmem>> -> memref<1x128xi32, #tpu.memory_space<vmem>>
    %dma_start3A_40 = tpu.memref_squeeze %dma_start3A_39 : memref<1x128xi32, #tpu.memory_space<vmem>> -> memref<128xi32, #tpu.memory_space<vmem>>
    %dma_start3A_41 = arith.constant 0 : i32
    %dma_start3A_42 = arith.constant 0 : i32
    %dma_start3A_43 = tpu.memref_slice %arg4[%dma_start3A_41, %dma_start3A_42] : memref<20000x64xf32, #tpu.memory_space<hbm>> -> memref<20000x64xf32, #tpu.memory_space<hbm>>
    tpu.enqueue_indirect_dma source(%dma_start3A_43 : memref<20000x64xf32, #tpu.memory_space<hbm>>) target(%arg10 : memref<128x64xf32, #tpu.memory_space<vmem>>) offsets(%dma_start3A_40 : memref<128xi32, #tpu.memory_space<vmem>>) semaphore(%arg15 : memref<!tpu.dma_semaphore, #tpu.memory_space<semaphore_mem>>)
    %dma_start3A_44 = arith.constant 3 : i32
    %dma_start3A_45 = arith.constant 0 : i32
    %dma_start3A_46 = tpu.memref_slice %arg6[%dma_start3A_44, %dma_start3A_45] : memref<160x128xi32, #tpu.memory_space<vmem>> -> memref<1x128xi32, #tpu.memory_space<vmem>>
    %dma_start3A_47 = tpu.memref_squeeze %dma_start3A_46 : memref<1x128xi32, #tpu.memory_space<vmem>> -> memref<128xi32, #tpu.memory_space<vmem>>
    %dma_start3A_48 = arith.constant 0 : i32
    %dma_start3A_49 = arith.constant 0 : i32
    %dma_start3A_50 = tpu.memref_slice %arg4[%dma_start3A_48, %dma_start3A_49] : memref<20000x64xf32, #tpu.memory_space<hbm>> -> memref<20000x64xf32, #tpu.memory_space<hbm>>
    tpu.enqueue_indirect_dma source(%dma_start3A_50 : memref<20000x64xf32, #tpu.memory_space<hbm>>) target(%arg11 : memref<128x64xf32, #tpu.memory_space<vmem>>) offsets(%dma_start3A_47 : memref<128xi32, #tpu.memory_space<vmem>>) semaphore(%arg16 : memref<!tpu.dma_semaphore, #tpu.memory_space<semaphore_mem>>)
    %scan3A_51 = arith.constant 0 : i32
    %scan3A_52 = arith.constant 0 : i32
    %scan3A_53 = arith.constant 40 : i32
    %scan3A_54 = arith.addi %scan3A_52, %scan3A_53 : i32
    %scan3A_55 = arith.constant 1 : i32
    %scan3A_56 = scf.for %scan3A_73 = %scan3A_52 to %scan3A_54 step %scan3A_55 iter_args(%scan3A_74 = %scan3A_51) -> (i32)  : i32 {
      %mul3A_75 = arith.constant 4 : i32
      %mul3A_76 = arith.muli %scan3A_73, %mul3A_75 : i32
      %add3A_77 = arith.constant 0 : i32
      %add3A_78 = arith.addi %mul3A_76, %add3A_77 : i32
      %dma_wait3A = arith.constant 0 : i32
      %dma_wait3A_79 = tpu.memref_slice %arg6[%add3A_78, %dma_wait3A] : memref<160x128xi32, #tpu.memory_space<vmem>> -> memref<1x128xi32, #tpu.memory_space<vmem>>
      %dma_wait3A_80 = tpu.memref_squeeze %dma_wait3A_79 : memref<1x128xi32, #tpu.memory_space<vmem>> -> memref<128xi32, #tpu.memory_space<vmem>>
      %dma_wait3A_81 = arith.constant 0 : i32
      %dma_wait3A_82 = arith.constant 0 : i32
      %dma_wait3A_83 = tpu.memref_slice %arg4[%dma_wait3A_81, %dma_wait3A_82] : memref<20000x64xf32, #tpu.memory_space<hbm>> -> memref<20000x64xf32, #tpu.memory_space<hbm>>
      tpu.wait_indirect_dma semaphore(%arg13 : memref<!tpu.dma_semaphore, #tpu.memory_space<semaphore_mem>>) src(%dma_wait3A_83 : memref<20000x64xf32, #tpu.memory_space<hbm>>) dst(%arg8 : memref<128x64xf32, #tpu.memory_space<vmem>>)
      "tpu.region"() ({
        %run_scoped3A = tpu.sem_alloc : memref<!tpu.dma_semaphore, #tpu.memory_space<semaphore_mem>>
        %dma_start3A_140 = arith.constant 0 : i32
        %dma_start3A_141 = tpu.memref_slice %arg7[%add3A_78, %dma_start3A_140] : memref<160x128xi32, #tpu.memory_space<vmem>> -> memref<1x128xi32, #tpu.memory_space<vmem>>
        %dma_start3A_142 = tpu.memref_squeeze %dma_start3A_141 : memref<1x128xi32, #tpu.memory_space<vmem>> -> memref<128xi32, #tpu.memory_space<vmem>>
        %dma_start3A_143 = arith.constant 0 : i32
        %dma_start3A_144 = arith.constant 0 : i32
        %dma_start3A_145 = tpu.memref_slice %arg12[%dma_start3A_143, %dma_start3A_144] : memref<10112x64xf32, #tpu.memory_space<vmem_shared>> -> memref<10112x64xf32, #tpu.memory_space<vmem_shared>>
        tpu.enqueue_indirect_dma source(%arg8 : memref<128x64xf32, #tpu.memory_space<vmem>>) target(%dma_start3A_145 : memref<10112x64xf32, #tpu.memory_space<vmem_shared>>) offsets(%dma_start3A_142 : memref<128xi32, #tpu.memory_space<vmem>>) semaphore(%run_scoped3A : memref<!tpu.dma_semaphore, #tpu.memory_space<semaphore_mem>>) {add = true}
        %dma_wait3A_146 = arith.constant 0 : i32
        %dma_wait3A_147 = tpu.memref_slice %arg7[%add3A_78, %dma_wait3A_146] : memref<160x128xi32, #tpu.memory_space<vmem>> -> memref<1x128xi32, #tpu.memory_space<vmem>>
        %dma_wait3A_148 = tpu.memref_squeeze %dma_wait3A_147 : memref<1x128xi32, #tpu.memory_space<vmem>> -> memref<128xi32, #tpu.memory_space<vmem>>
        %dma_wait3A_149 = arith.constant 0 : i32
        %dma_wait3A_150 = arith.constant 0 : i32
        %dma_wait3A_151 = tpu.memref_slice %arg12[%dma_wait3A_149, %dma_wait3A_150] : memref<10112x64xf32, #tpu.memory_space<vmem_shared>> -> memref<10112x64xf32, #tpu.memory_space<vmem_shared>>
        tpu.wait_indirect_dma semaphore(%run_scoped3A : memref<!tpu.dma_semaphore, #tpu.memory_space<semaphore_mem>>) src(%arg8 : memref<128x64xf32, #tpu.memory_space<vmem>>) dst(%dma_wait3A_151 : memref<10112x64xf32, #tpu.memory_space<vmem_shared>>)
        tpu.yield
      }) : () -> ()
      %add3A_84 = arith.constant 4 : i32
      %add3A_85 = arith.addi %add3A_78, %add3A_84 : i32
      %lt3A = arith.constant 160 : i32
      %lt3A_86 = arith.cmpi slt, %add3A_85, %lt3A : i32
      %convert_element_type3A = arith.extui %lt3A_86 : i1 to i32
      %cond3A = arith.constant 0 : i32
      %cond3A_87 = arith.cmpi ne, %convert_element_type3A, %cond3A : i32
      scf.if %cond3A_87 {
        %dma_start3A_140 = arith.constant 0 : i32
        %dma_start3A_141 = tpu.memref_slice %arg6[%add3A_85, %dma_start3A_140] : memref<160x128xi32, #tpu.memory_space<vmem>> -> memref<1x128xi32, #tpu.memory_space<vmem>>
        %dma_start3A_142 = tpu.memref_squeeze %dma_start3A_141 : memref<1x128xi32, #tpu.memory_space<vmem>> -> memref<128xi32, #tpu.memory_space<vmem>>
        %dma_start3A_143 = arith.constant 0 : i32
        %dma_start3A_144 = arith.constant 0 : i32
        %dma_start3A_145 = tpu.memref_slice %arg4[%dma_start3A_143, %dma_start3A_144] : memref<20000x64xf32, #tpu.memory_space<hbm>> -> memref<20000x64xf32, #tpu.memory_space<hbm>>
        tpu.enqueue_indirect_dma source(%dma_start3A_145 : memref<20000x64xf32, #tpu.memory_space<hbm>>) target(%arg8 : memref<128x64xf32, #tpu.memory_space<vmem>>) offsets(%dma_start3A_142 : memref<128xi32, #tpu.memory_space<vmem>>) semaphore(%arg13 : memref<!tpu.dma_semaphore, #tpu.memory_space<semaphore_mem>>)
      } else {
      }
      %mul3A_88 = arith.constant 4 : i32
      %mul3A_89 = arith.muli %scan3A_73, %mul3A_88 : i32
      %add3A_90 = arith.constant 1 : i32
      %add3A_91 = arith.addi %mul3A_89, %add3A_90 : i32
      %dma_wait3A_92 = arith.constant 0 : i32
      %dma_wait3A_93 = tpu.memref_slice %arg6[%add3A_91, %dma_wait3A_92] : memref<160x128xi32, #tpu.memory_space<vmem>> -> memref<1x128xi32, #tpu.memory_space<vmem>>
      %dma_wait3A_94 = tpu.memref_squeeze %dma_wait3A_93 : memref<1x128xi32, #tpu.memory_space<vmem>> -> memref<128xi32, #tpu.memory_space<vmem>>
      %dma_wait3A_95 = arith.constant 0 : i32
      %dma_wait3A_96 = arith.constant 0 : i32
      %dma_wait3A_97 = tpu.memref_slice %arg4[%dma_wait3A_95, %dma_wait3A_96] : memref<20000x64xf32, #tpu.memory_space<hbm>> -> memref<20000x64xf32, #tpu.memory_space<hbm>>
      tpu.wait_indirect_dma semaphore(%arg14 : memref<!tpu.dma_semaphore, #tpu.memory_space<semaphore_mem>>) src(%dma_wait3A_97 : memref<20000x64xf32, #tpu.memory_space<hbm>>) dst(%arg9 : memref<128x64xf32, #tpu.memory_space<vmem>>)
      "tpu.region"() ({
        %run_scoped3A = tpu.sem_alloc : memref<!tpu.dma_semaphore, #tpu.memory_space<semaphore_mem>>
        %dma_start3A_140 = arith.constant 0 : i32
        %dma_start3A_141 = tpu.memref_slice %arg7[%add3A_91, %dma_start3A_140] : memref<160x128xi32, #tpu.memory_space<vmem>> -> memref<1x128xi32, #tpu.memory_space<vmem>>
        %dma_start3A_142 = tpu.memref_squeeze %dma_start3A_141 : memref<1x128xi32, #tpu.memory_space<vmem>> -> memref<128xi32, #tpu.memory_space<vmem>>
        %dma_start3A_143 = arith.constant 0 : i32
        %dma_start3A_144 = arith.constant 0 : i32
        %dma_start3A_145 = tpu.memref_slice %arg12[%dma_start3A_143, %dma_start3A_144] : memref<10112x64xf32, #tpu.memory_space<vmem_shared>> -> memref<10112x64xf32, #tpu.memory_space<vmem_shared>>
        tpu.enqueue_indirect_dma source(%arg9 : memref<128x64xf32, #tpu.memory_space<vmem>>) target(%dma_start3A_145 : memref<10112x64xf32, #tpu.memory_space<vmem_shared>>) offsets(%dma_start3A_142 : memref<128xi32, #tpu.memory_space<vmem>>) semaphore(%run_scoped3A : memref<!tpu.dma_semaphore, #tpu.memory_space<semaphore_mem>>) {add = true}
        %dma_wait3A_146 = arith.constant 0 : i32
        %dma_wait3A_147 = tpu.memref_slice %arg7[%add3A_91, %dma_wait3A_146] : memref<160x128xi32, #tpu.memory_space<vmem>> -> memref<1x128xi32, #tpu.memory_space<vmem>>
        %dma_wait3A_148 = tpu.memref_squeeze %dma_wait3A_147 : memref<1x128xi32, #tpu.memory_space<vmem>> -> memref<128xi32, #tpu.memory_space<vmem>>
        %dma_wait3A_149 = arith.constant 0 : i32
        %dma_wait3A_150 = arith.constant 0 : i32
        %dma_wait3A_151 = tpu.memref_slice %arg12[%dma_wait3A_149, %dma_wait3A_150] : memref<10112x64xf32, #tpu.memory_space<vmem_shared>> -> memref<10112x64xf32, #tpu.memory_space<vmem_shared>>
        tpu.wait_indirect_dma semaphore(%run_scoped3A : memref<!tpu.dma_semaphore, #tpu.memory_space<semaphore_mem>>) src(%arg9 : memref<128x64xf32, #tpu.memory_space<vmem>>) dst(%dma_wait3A_151 : memref<10112x64xf32, #tpu.memory_space<vmem_shared>>)
        tpu.yield
      }) : () -> ()
      %add3A_98 = arith.constant 4 : i32
      %add3A_99 = arith.addi %add3A_91, %add3A_98 : i32
      %lt3A_100 = arith.constant 160 : i32
      %lt3A_101 = arith.cmpi slt, %add3A_99, %lt3A_100 : i32
      %convert_element_type3A_102 = arith.extui %lt3A_101 : i1 to i32
      %cond3A_103 = arith.constant 0 : i32
      %cond3A_104 = arith.cmpi ne, %convert_element_type3A_102, %cond3A_103 : i32
      scf.if %cond3A_104 {
        %dma_start3A_140 = arith.constant 0 : i32
        %dma_start3A_141 = tpu.memref_slice %arg6[%add3A_99, %dma_start3A_140] : memref<160x128xi32, #tpu.memory_space<vmem>> -> memref<1x128xi32, #tpu.memory_space<vmem>>
        %dma_start3A_142 = tpu.memref_squeeze %dma_start3A_141 : memref<1x128xi32, #tpu.memory_space<vmem>> -> memref<128xi32, #tpu.memory_space<vmem>>
        %dma_start3A_143 = arith.constant 0 : i32
        %dma_start3A_144 = arith.constant 0 : i32
        %dma_start3A_145 = tpu.memref_slice %arg4[%dma_start3A_143, %dma_start3A_144] : memref<20000x64xf32, #tpu.memory_space<hbm>> -> memref<20000x64xf32, #tpu.memory_space<hbm>>
        tpu.enqueue_indirect_dma source(%dma_start3A_145 : memref<20000x64xf32, #tpu.memory_space<hbm>>) target(%arg9 : memref<128x64xf32, #tpu.memory_space<vmem>>) offsets(%dma_start3A_142 : memref<128xi32, #tpu.memory_space<vmem>>) semaphore(%arg14 : memref<!tpu.dma_semaphore, #tpu.memory_space<semaphore_mem>>)
      } else {
      }
      %mul3A_105 = arith.constant 4 : i32
      %mul3A_106 = arith.muli %scan3A_73, %mul3A_105 : i32
      %add3A_107 = arith.constant 2 : i32
      %add3A_108 = arith.addi %mul3A_106, %add3A_107 : i32
      %dma_wait3A_109 = arith.constant 0 : i32
      %dma_wait3A_110 = tpu.memref_slice %arg6[%add3A_108, %dma_wait3A_109] : memref<160x128xi32, #tpu.memory_space<vmem>> -> memref<1x128xi32, #tpu.memory_space<vmem>>
      %dma_wait3A_111 = tpu.memref_squeeze %dma_wait3A_110 : memref<1x128xi32, #tpu.memory_space<vmem>> -> memref<128xi32, #tpu.memory_space<vmem>>
      %dma_wait3A_112 = arith.constant 0 : i32
      %dma_wait3A_113 = arith.constant 0 : i32
      %dma_wait3A_114 = tpu.memref_slice %arg4[%dma_wait3A_112, %dma_wait3A_113] : memref<20000x64xf32, #tpu.memory_space<hbm>> -> memref<20000x64xf32, #tpu.memory_space<hbm>>
      tpu.wait_indirect_dma semaphore(%arg15 : memref<!tpu.dma_semaphore, #tpu.memory_space<semaphore_mem>>) src(%dma_wait3A_114 : memref<20000x64xf32, #tpu.memory_space<hbm>>) dst(%arg10 : memref<128x64xf32, #tpu.memory_space<vmem>>)
      "tpu.region"() ({
        %run_scoped3A = tpu.sem_alloc : memref<!tpu.dma_semaphore, #tpu.memory_space<semaphore_mem>>
        %dma_start3A_140 = arith.constant 0 : i32
        %dma_start3A_141 = tpu.memref_slice %arg7[%add3A_108, %dma_start3A_140] : memref<160x128xi32, #tpu.memory_space<vmem>> -> memref<1x128xi32, #tpu.memory_space<vmem>>
        %dma_start3A_142 = tpu.memref_squeeze %dma_start3A_141 : memref<1x128xi32, #tpu.memory_space<vmem>> -> memref<128xi32, #tpu.memory_space<vmem>>
        %dma_start3A_143 = arith.constant 0 : i32
        %dma_start3A_144 = arith.constant 0 : i32
        %dma_start3A_145 = tpu.memref_slice %arg12[%dma_start3A_143, %dma_start3A_144] : memref<10112x64xf32, #tpu.memory_space<vmem_shared>> -> memref<10112x64xf32, #tpu.memory_space<vmem_shared>>
        tpu.enqueue_indirect_dma source(%arg10 : memref<128x64xf32, #tpu.memory_space<vmem>>) target(%dma_start3A_145 : memref<10112x64xf32, #tpu.memory_space<vmem_shared>>) offsets(%dma_start3A_142 : memref<128xi32, #tpu.memory_space<vmem>>) semaphore(%run_scoped3A : memref<!tpu.dma_semaphore, #tpu.memory_space<semaphore_mem>>) {add = true}
        %dma_wait3A_146 = arith.constant 0 : i32
        %dma_wait3A_147 = tpu.memref_slice %arg7[%add3A_108, %dma_wait3A_146] : memref<160x128xi32, #tpu.memory_space<vmem>> -> memref<1x128xi32, #tpu.memory_space<vmem>>
        %dma_wait3A_148 = tpu.memref_squeeze %dma_wait3A_147 : memref<1x128xi32, #tpu.memory_space<vmem>> -> memref<128xi32, #tpu.memory_space<vmem>>
        %dma_wait3A_149 = arith.constant 0 : i32
        %dma_wait3A_150 = arith.constant 0 : i32
        %dma_wait3A_151 = tpu.memref_slice %arg12[%dma_wait3A_149, %dma_wait3A_150] : memref<10112x64xf32, #tpu.memory_space<vmem_shared>> -> memref<10112x64xf32, #tpu.memory_space<vmem_shared>>
        tpu.wait_indirect_dma semaphore(%run_scoped3A : memref<!tpu.dma_semaphore, #tpu.memory_space<semaphore_mem>>) src(%arg10 : memref<128x64xf32, #tpu.memory_space<vmem>>) dst(%dma_wait3A_151 : memref<10112x64xf32, #tpu.memory_space<vmem_shared>>)
        tpu.yield
      }) : () -> ()
      %add3A_115 = arith.constant 4 : i32
      %add3A_116 = arith.addi %add3A_108, %add3A_115 : i32
      %lt3A_117 = arith.constant 160 : i32
      %lt3A_118 = arith.cmpi slt, %add3A_116, %lt3A_117 : i32
      %convert_element_type3A_119 = arith.extui %lt3A_118 : i1 to i32
      %cond3A_120 = arith.constant 0 : i32
      %cond3A_121 = arith.cmpi ne, %convert_element_type3A_119, %cond3A_120 : i32
      scf.if %cond3A_121 {
        %dma_start3A_140 = arith.constant 0 : i32
        %dma_start3A_141 = tpu.memref_slice %arg6[%add3A_116, %dma_start3A_140] : memref<160x128xi32, #tpu.memory_space<vmem>> -> memref<1x128xi32, #tpu.memory_space<vmem>>
        %dma_start3A_142 = tpu.memref_squeeze %dma_start3A_141 : memref<1x128xi32, #tpu.memory_space<vmem>> -> memref<128xi32, #tpu.memory_space<vmem>>
        %dma_start3A_143 = arith.constant 0 : i32
        %dma_start3A_144 = arith.constant 0 : i32
        %dma_start3A_145 = tpu.memref_slice %arg4[%dma_start3A_143, %dma_start3A_144] : memref<20000x64xf32, #tpu.memory_space<hbm>> -> memref<20000x64xf32, #tpu.memory_space<hbm>>
        tpu.enqueue_indirect_dma source(%dma_start3A_145 : memref<20000x64xf32, #tpu.memory_space<hbm>>) target(%arg10 : memref<128x64xf32, #tpu.memory_space<vmem>>) offsets(%dma_start3A_142 : memref<128xi32, #tpu.memory_space<vmem>>) semaphore(%arg15 : memref<!tpu.dma_semaphore, #tpu.memory_space<semaphore_mem>>)
      } else {
      }
      %mul3A_122 = arith.constant 4 : i32
      %mul3A_123 = arith.muli %scan3A_73, %mul3A_122 : i32
      %add3A_124 = arith.constant 3 : i32
      %add3A_125 = arith.addi %mul3A_123, %add3A_124 : i32
      %dma_wait3A_126 = arith.constant 0 : i32
      %dma_wait3A_127 = tpu.memref_slice %arg6[%add3A_125, %dma_wait3A_126] : memref<160x128xi32, #tpu.memory_space<vmem>> -> memref<1x128xi32, #tpu.memory_space<vmem>>
      %dma_wait3A_128 = tpu.memref_squeeze %dma_wait3A_127 : memref<1x128xi32, #tpu.memory_space<vmem>> -> memref<128xi32, #tpu.memory_space<vmem>>
      %dma_wait3A_129 = arith.constant 0 : i32
      %dma_wait3A_130 = arith.constant 0 : i32
      %dma_wait3A_131 = tpu.memref_slice %arg4[%dma_wait3A_129, %dma_wait3A_130] : memref<20000x64xf32, #tpu.memory_space<hbm>> -> memref<20000x64xf32, #tpu.memory_space<hbm>>
      tpu.wait_indirect_dma semaphore(%arg16 : memref<!tpu.dma_semaphore, #tpu.memory_space<semaphore_mem>>) src(%dma_wait3A_131 : memref<20000x64xf32, #tpu.memory_space<hbm>>) dst(%arg11 : memref<128x64xf32, #tpu.memory_space<vmem>>)
      "tpu.region"() ({
        %run_scoped3A = tpu.sem_alloc : memref<!tpu.dma_semaphore, #tpu.memory_space<semaphore_mem>>
        %dma_start3A_140 = arith.constant 0 : i32
        %dma_start3A_141 = tpu.memref_slice %arg7[%add3A_125, %dma_start3A_140] : memref<160x128xi32, #tpu.memory_space<vmem>> -> memref<1x128xi32, #tpu.memory_space<vmem>>
        %dma_start3A_142 = tpu.memref_squeeze %dma_start3A_141 : memref<1x128xi32, #tpu.memory_space<vmem>> -> memref<128xi32, #tpu.memory_space<vmem>>
        %dma_start3A_143 = arith.constant 0 : i32
        %dma_start3A_144 = arith.constant 0 : i32
        %dma_start3A_145 = tpu.memref_slice %arg12[%dma_start3A_143, %dma_start3A_144] : memref<10112x64xf32, #tpu.memory_space<vmem_shared>> -> memref<10112x64xf32, #tpu.memory_space<vmem_shared>>
        tpu.enqueue_indirect_dma source(%arg11 : memref<128x64xf32, #tpu.memory_space<vmem>>) target(%dma_start3A_145 : memref<10112x64xf32, #tpu.memory_space<vmem_shared>>) offsets(%dma_start3A_142 : memref<128xi32, #tpu.memory_space<vmem>>) semaphore(%run_scoped3A : memref<!tpu.dma_semaphore, #tpu.memory_space<semaphore_mem>>) {add = true}
        %dma_wait3A_146 = arith.constant 0 : i32
        %dma_wait3A_147 = tpu.memref_slice %arg7[%add3A_125, %dma_wait3A_146] : memref<160x128xi32, #tpu.memory_space<vmem>> -> memref<1x128xi32, #tpu.memory_space<vmem>>
        %dma_wait3A_148 = tpu.memref_squeeze %dma_wait3A_147 : memref<1x128xi32, #tpu.memory_space<vmem>> -> memref<128xi32, #tpu.memory_space<vmem>>
        %dma_wait3A_149 = arith.constant 0 : i32
        %dma_wait3A_150 = arith.constant 0 : i32
        %dma_wait3A_151 = tpu.memref_slice %arg12[%dma_wait3A_149, %dma_wait3A_150] : memref<10112x64xf32, #tpu.memory_space<vmem_shared>> -> memref<10112x64xf32, #tpu.memory_space<vmem_shared>>
        tpu.wait_indirect_dma semaphore(%run_scoped3A : memref<!tpu.dma_semaphore, #tpu.memory_space<semaphore_mem>>) src(%arg11 : memref<128x64xf32, #tpu.memory_space<vmem>>) dst(%dma_wait3A_151 : memref<10112x64xf32, #tpu.memory_space<vmem_shared>>)
        tpu.yield
      }) : () -> ()
      %add3A_132 = arith.constant 4 : i32
      %add3A_133 = arith.addi %add3A_125, %add3A_132 : i32
      %lt3A_134 = arith.constant 160 : i32
      %lt3A_135 = arith.cmpi slt, %add3A_133, %lt3A_134 : i32
      %convert_element_type3A_136 = arith.extui %lt3A_135 : i1 to i32
      %cond3A_137 = arith.constant 0 : i32
      %cond3A_138 = arith.cmpi ne, %convert_element_type3A_136, %cond3A_137 : i32
      scf.if %cond3A_138 {
        %dma_start3A_140 = arith.constant 0 : i32
        %dma_start3A_141 = tpu.memref_slice %arg6[%add3A_133, %dma_start3A_140] : memref<160x128xi32, #tpu.memory_space<vmem>> -> memref<1x128xi32, #tpu.memory_space<vmem>>
        %dma_start3A_142 = tpu.memref_squeeze %dma_start3A_141 : memref<1x128xi32, #tpu.memory_space<vmem>> -> memref<128xi32, #tpu.memory_space<vmem>>
        %dma_start3A_143 = arith.constant 0 : i32
        %dma_start3A_144 = arith.constant 0 : i32
        %dma_start3A_145 = tpu.memref_slice %arg4[%dma_start3A_143, %dma_start3A_144] : memref<20000x64xf32, #tpu.memory_space<hbm>> -> memref<20000x64xf32, #tpu.memory_space<hbm>>
        tpu.enqueue_indirect_dma source(%dma_start3A_145 : memref<20000x64xf32, #tpu.memory_space<hbm>>) target(%arg11 : memref<128x64xf32, #tpu.memory_space<vmem>>) offsets(%dma_start3A_142 : memref<128xi32, #tpu.memory_space<vmem>>) semaphore(%arg16 : memref<!tpu.dma_semaphore, #tpu.memory_space<semaphore_mem>>)
      } else {
      }
      %scan3A_139 = arith.constant 0 : i32
      scf.yield %scan3A_139 : i32
    }
    %scan3A_57 = arith.constant 40 : i32
    %barrier3A_58 = arith.constant 0 : index
    tpu.barrier barrier_id(%barrier3A_58)
    %mul3A_59 = arith.constant 10112 : i32
    %mul3A_60 = arith.muli %arg0, %mul3A_59 : i32
    %add3A_61 = arith.addi %mul3A_60, %mul3A_15 : i32
    %scan3A_62 = arith.constant 0 : i32
    %scan3A_63 = arith.constant 0 : i32
    %scan3A_64 = arith.constant 4 : i32
    %scan3A_65 = arith.addi %scan3A_63, %scan3A_64 : i32
    %scan3A_66 = arith.constant 1 : i32
    %scan3A_67 = scf.for %scan3A_73 = %scan3A_63 to %scan3A_65 step %scan3A_66 iter_args(%scan3A_74 = %scan3A_62) -> (i32)  : i32 {
      %mul3A_75 = arith.constant 128 : i32
      %mul3A_76 = arith.muli %scan3A_73, %mul3A_75 : i32
      %add3A_77 = arith.addi %mul3A_15, %mul3A_76 : i32
      "tpu.region"() ({
        %run_scoped3A = tpu.sem_alloc : memref<!tpu.dma_semaphore, #tpu.memory_space<semaphore_mem>>
        %dma_start3A_82 = arith.constant 0 : i32
        %dma_start3A_83 = tpu.memref_slice %arg12[%add3A_77, %dma_start3A_82] : memref<10112x64xf32, #tpu.memory_space<vmem_shared>> -> memref<128x64xf32, #tpu.memory_space<vmem_shared>>
        %dma_start3A_84 = arith.constant 0 : i32
        %dma_start3A_85 = tpu.memref_slice %arg12[%add3A_77, %dma_start3A_84] : memref<10112x64xf32, #tpu.memory_space<vmem_shared>> -> memref<128x64xf32, #tpu.memory_space<vmem_shared>>
        tpu.enqueue_dma source(%dma_start3A_85 : memref<128x64xf32, #tpu.memory_space<vmem_shared>>) target(%arg8 : memref<128x64xf32, #tpu.memory_space<vmem>>) target_semaphore(%run_scoped3A : memref<!tpu.dma_semaphore, #tpu.memory_space<semaphore_mem>>)
        %dma_wait3A = arith.constant 0 : i32
        %dma_wait3A_86 = tpu.memref_slice %arg12[%add3A_77, %dma_wait3A] : memref<10112x64xf32, #tpu.memory_space<vmem_shared>> -> memref<128x64xf32, #tpu.memory_space<vmem_shared>>
        %dma_wait3A_87 = arith.constant 0 : i32
        %dma_wait3A_88 = tpu.memref_slice %arg12[%add3A_77, %dma_wait3A_87] : memref<10112x64xf32, #tpu.memory_space<vmem_shared>> -> memref<128x64xf32, #tpu.memory_space<vmem_shared>>
        tpu.wait_dma2 semaphore(%run_scoped3A : memref<!tpu.dma_semaphore, #tpu.memory_space<semaphore_mem>>) src(%dma_wait3A_88 : memref<128x64xf32, #tpu.memory_space<vmem_shared>>) dst(%arg8 : memref<128x64xf32, #tpu.memory_space<vmem>>)
        tpu.yield
      }) : () -> ()
      %mul3A_78 = arith.constant 128 : i32
      %mul3A_79 = arith.muli %scan3A_73, %mul3A_78 : i32
      %add3A_80 = arith.addi %add3A_61, %mul3A_79 : i32
      "tpu.region"() ({
        %run_scoped3A = tpu.sem_alloc : memref<!tpu.dma_semaphore, #tpu.memory_space<semaphore_mem>>
        %dma_start3A_82 = arith.constant 0 : i32
        %dma_start3A_83 = tpu.memref_slice %arg5[%add3A_80, %dma_start3A_82] : memref<20224x64xf32, #tpu.memory_space<hbm>> -> memref<128x64xf32, #tpu.memory_space<hbm>>
        %dma_start3A_84 = arith.constant 0 : i32
        %dma_start3A_85 = tpu.memref_slice %arg5[%add3A_80, %dma_start3A_84] : memref<20224x64xf32, #tpu.memory_space<hbm>> -> memref<128x64xf32, #tpu.memory_space<hbm>>
        tpu.enqueue_dma source(%arg8 : memref<128x64xf32, #tpu.memory_space<vmem>>) target(%dma_start3A_85 : memref<128x64xf32, #tpu.memory_space<hbm>>) target_semaphore(%run_scoped3A : memref<!tpu.dma_semaphore, #tpu.memory_space<semaphore_mem>>)
        %dma_wait3A = arith.constant 0 : i32
        %dma_wait3A_86 = tpu.memref_slice %arg5[%add3A_80, %dma_wait3A] : memref<20224x64xf32, #tpu.memory_space<hbm>> -> memref<128x64xf32, #tpu.memory_space<hbm>>
        %dma_wait3A_87 = arith.constant 0 : i32
        %dma_wait3A_88 = tpu.memref_slice %arg5[%add3A_80, %dma_wait3A_87] : memref<20224x64xf32, #tpu.memory_space<hbm>> -> memref<128x64xf32, #tpu.memory_space<hbm>>
        tpu.wait_dma2 semaphore(%run_scoped3A : memref<!tpu.dma_semaphore, #tpu.memory_space<semaphore_mem>>) src(%arg8 : memref<128x64xf32, #tpu.memory_space<vmem>>) dst(%dma_wait3A_88 : memref<128x64xf32, #tpu.memory_space<hbm>>)
        tpu.yield
      }) : () -> ()
      %scan3A_81 = arith.constant 0 : i32
      scf.yield %scan3A_81 : i32
    }
    %scan3A_68 = arith.constant 4 : i32
    %add3A_69 = arith.constant 512 : i32
    %add3A_70 = arith.addi %mul3A_15, %add3A_69 : i32
    "tpu.region"() ({
      %run_scoped3A = tpu.sem_alloc : memref<!tpu.dma_semaphore, #tpu.memory_space<semaphore_mem>>
      %dma_start3A_73 = arith.constant 0 : i32
      %dma_start3A_74 = arith.constant 0 : i32
      %dma_start3A_75 = tpu.memref_slice %arg8[%dma_start3A_73, %dma_start3A_74] : memref<128x64xf32, #tpu.memory_space<vmem>> -> memref<120x64xf32, #tpu.memory_space<vmem>>
      %dma_start3A_76 = arith.constant 0 : i32
      %dma_start3A_77 = tpu.memref_slice %arg12[%add3A_70, %dma_start3A_76] : memref<10112x64xf32, #tpu.memory_space<vmem_shared>> -> memref<120x64xf32, #tpu.memory_space<vmem_shared>>
      %dma_start3A_78 = arith.constant 0 : i32
      %dma_start3A_79 = arith.constant 0 : i32
      %dma_start3A_80 = tpu.memref_slice %arg8[%dma_start3A_78, %dma_start3A_79] : memref<128x64xf32, #tpu.memory_space<vmem>> -> memref<120x64xf32, #tpu.memory_space<vmem>>
      %dma_start3A_81 = arith.constant 0 : i32
      %dma_start3A_82 = tpu.memref_slice %arg12[%add3A_70, %dma_start3A_81] : memref<10112x64xf32, #tpu.memory_space<vmem_shared>> -> memref<120x64xf32, #tpu.memory_space<vmem_shared>>
      tpu.enqueue_dma source(%dma_start3A_82 : memref<120x64xf32, #tpu.memory_space<vmem_shared>>) target(%dma_start3A_80 : memref<120x64xf32, #tpu.memory_space<vmem>>) target_semaphore(%run_scoped3A : memref<!tpu.dma_semaphore, #tpu.memory_space<semaphore_mem>>)
      %dma_wait3A = arith.constant 0 : i32
      %dma_wait3A_83 = arith.constant 0 : i32
      %dma_wait3A_84 = tpu.memref_slice %arg8[%dma_wait3A, %dma_wait3A_83] : memref<128x64xf32, #tpu.memory_space<vmem>> -> memref<120x64xf32, #tpu.memory_space<vmem>>
      %dma_wait3A_85 = arith.constant 0 : i32
      %dma_wait3A_86 = tpu.memref_slice %arg12[%add3A_70, %dma_wait3A_85] : memref<10112x64xf32, #tpu.memory_space<vmem_shared>> -> memref<120x64xf32, #tpu.memory_space<vmem_shared>>
      %dma_wait3A_87 = arith.constant 0 : i32
      %dma_wait3A_88 = arith.constant 0 : i32
      %dma_wait3A_89 = tpu.memref_slice %arg8[%dma_wait3A_87, %dma_wait3A_88] : memref<128x64xf32, #tpu.memory_space<vmem>> -> memref<120x64xf32, #tpu.memory_space<vmem>>
      %dma_wait3A_90 = arith.constant 0 : i32
      %dma_wait3A_91 = tpu.memref_slice %arg12[%add3A_70, %dma_wait3A_90] : memref<10112x64xf32, #tpu.memory_space<vmem_shared>> -> memref<120x64xf32, #tpu.memory_space<vmem_shared>>
      tpu.wait_dma2 semaphore(%run_scoped3A : memref<!tpu.dma_semaphore, #tpu.memory_space<semaphore_mem>>) src(%dma_wait3A_91 : memref<120x64xf32, #tpu.memory_space<vmem_shared>>) dst(%dma_wait3A_89 : memref<120x64xf32, #tpu.memory_space<vmem>>)
      tpu.yield
    }) : () -> ()
    %add3A_71 = arith.constant 512 : i32
    %add3A_72 = arith.addi %add3A_61, %add3A_71 : i32
    "tpu.region"() ({
      %run_scoped3A = tpu.sem_alloc : memref<!tpu.dma_semaphore, #tpu.memory_space<semaphore_mem>>
      %dma_start3A_73 = arith.constant 0 : i32
      %dma_start3A_74 = arith.constant 0 : i32
      %dma_start3A_75 = tpu.memref_slice %arg8[%dma_start3A_73, %dma_start3A_74] : memref<128x64xf32, #tpu.memory_space<vmem>> -> memref<120x64xf32, #tpu.memory_space<vmem>>
      %dma_start3A_76 = arith.constant 0 : i32
      %dma_start3A_77 = tpu.memref_slice %arg5[%add3A_72, %dma_start3A_76] : memref<20224x64xf32, #tpu.memory_space<hbm>> -> memref<120x64xf32, #tpu.memory_space<hbm>>
      %dma_start3A_78 = arith.constant 0 : i32
      %dma_start3A_79 = tpu.memref_slice %arg5[%add3A_72, %dma_start3A_78] : memref<20224x64xf32, #tpu.memory_space<hbm>> -> memref<120x64xf32, #tpu.memory_space<hbm>>
      %dma_start3A_80 = arith.constant 0 : i32
      %dma_start3A_81 = arith.constant 0 : i32
      %dma_start3A_82 = tpu.memref_slice %arg8[%dma_start3A_80, %dma_start3A_81] : memref<128x64xf32, #tpu.memory_space<vmem>> -> memref<120x64xf32, #tpu.memory_space<vmem>>
      tpu.enqueue_dma source(%dma_start3A_82 : memref<120x64xf32, #tpu.memory_space<vmem>>) target(%dma_start3A_79 : memref<120x64xf32, #tpu.memory_space<hbm>>) target_semaphore(%run_scoped3A : memref<!tpu.dma_semaphore, #tpu.memory_space<semaphore_mem>>)
      %dma_wait3A = arith.constant 0 : i32
      %dma_wait3A_83 = arith.constant 0 : i32
      %dma_wait3A_84 = tpu.memref_slice %arg8[%dma_wait3A, %dma_wait3A_83] : memref<128x64xf32, #tpu.memory_space<vmem>> -> memref<120x64xf32, #tpu.memory_space<vmem>>
      %dma_wait3A_85 = arith.constant 0 : i32
      %dma_wait3A_86 = tpu.memref_slice %arg5[%add3A_72, %dma_wait3A_85] : memref<20224x64xf32, #tpu.memory_space<hbm>> -> memref<120x64xf32, #tpu.memory_space<hbm>>
      %dma_wait3A_87 = arith.constant 0 : i32
      %dma_wait3A_88 = tpu.memref_slice %arg5[%add3A_72, %dma_wait3A_87] : memref<20224x64xf32, #tpu.memory_space<hbm>> -> memref<120x64xf32, #tpu.memory_space<hbm>>
      %dma_wait3A_89 = arith.constant 0 : i32
      %dma_wait3A_90 = arith.constant 0 : i32
      %dma_wait3A_91 = tpu.memref_slice %arg8[%dma_wait3A_89, %dma_wait3A_90] : memref<128x64xf32, #tpu.memory_space<vmem>> -> memref<120x64xf32, #tpu.memory_space<vmem>>
      tpu.wait_dma2 semaphore(%run_scoped3A : memref<!tpu.dma_semaphore, #tpu.memory_space<semaphore_mem>>) src(%dma_wait3A_91 : memref<120x64xf32, #tpu.memory_space<vmem>>) dst(%dma_wait3A_88 : memref<120x64xf32, #tpu.memory_space<hbm>>)
      tpu.yield
    }) : () -> ()
    return
  }
}

module attributes {stable_mosaic.version = 14 : i64} {
  func.func @_mlp_body(%arg0: memref<20224x64xf32, #tpu.memory_space<vmem>>, %arg1: memref<20000x64xf32, #tpu.memory_space<vmem>>, %arg2: memref<128x128xf32, #tpu.memory_space<vmem>>, %arg3: memref<1x128xf32, #tpu.memory_space<vmem>>, %arg4: memref<128x128xf32, #tpu.memory_space<vmem>>, %arg5: memref<1x128xf32, #tpu.memory_space<vmem>>, %arg6: memref<20000x64xf32, #tpu.memory_space<vmem>>) attributes {dimension_semantics = [], scalar_prefetch = 0 : i64, scratch_operands = 0 : i64, tpu.core_type = #tpu.core_type<tc>} {
    %get3A = arith.constant 0 : index
    %get3A_0 = arith.constant 0 : index
    %get3A_1 = vector.load %arg0[%get3A, %get3A_0] : memref<20224x64xf32, #tpu.memory_space<vmem>>, vector<10000x64xf32>
    %get3A_2 = arith.constant 10112 : index
    %get3A_3 = arith.constant 0 : index
    %get3A_4 = vector.load %arg0[%get3A_2, %get3A_3] : memref<20224x64xf32, #tpu.memory_space<vmem>>, vector<10000x64xf32>
    %concatenate3A = tpu.concatenate %get3A_1, %get3A_4 in 1 : vector<10000x64xf32>, vector<10000x64xf32> -> vector<10000x128xf32>
    %get3A_5 = arith.constant 0 : index
    %get3A_6 = arith.constant 0 : index
    %get3A_7 = vector.load %arg1[%get3A_5, %get3A_6] : memref<20000x64xf32, #tpu.memory_space<vmem>>, vector<10000x64xf32>
    %get3A_8 = arith.constant 10000 : index
    %get3A_9 = arith.constant 0 : index
    %get3A_10 = vector.load %arg1[%get3A_8, %get3A_9] : memref<20000x64xf32, #tpu.memory_space<vmem>>, vector<10000x64xf32>
    %concatenate3A_11 = tpu.concatenate %get3A_7, %get3A_10 in 1 : vector<10000x64xf32>, vector<10000x64xf32> -> vector<10000x128xf32>
    %add3A = arith.addf %concatenate3A, %concatenate3A_11 : vector<10000x128xf32>
    %get3A_12 = arith.constant 0 : index
    %get3A_13 = arith.constant 0 : index
    %get3A_14 = vector.load %arg2[%get3A_12, %get3A_13] : memref<128x128xf32, #tpu.memory_space<vmem>>, vector<128x128xf32>
    %dot_general3A = arith.constant dense<0.000000e+00> : vector<10000x128xf32>
    %dot_general3A_15 = tpu.matmul %add3A, %get3A_14, %dot_general3A {dimension_numbers = #tpu.dot_dimension_numbers<[1], [0], [0], [1], [0, 0, 1, 1], [], []>, transpose_lhs_hint = false} : vector<10000x128xf32>, vector<128x128xf32>, vector<10000x128xf32> -> vector<10000x128xf32>
    %get3A_16 = arith.constant 0 : index
    %get3A_17 = arith.constant 0 : index
    %get3A_18 = vector.load %arg3[%get3A_16, %get3A_17] : memref<1x128xf32, #tpu.memory_space<vmem>>, vector<1x128xf32>
    %add3A_19 = vector.broadcast %get3A_18 : vector<1x128xf32> to vector<10000x128xf32>
    %add3A_20 = arith.addf %dot_general3A_15, %add3A_19 : vector<10000x128xf32>
    %max3A = arith.constant 0.000000e+00 : f32
    %max3A_21 = vector.broadcast %max3A : f32 to vector<10000x128xf32>
    %max3A_22 = arith.maximumf %add3A_20, %max3A_21 : vector<10000x128xf32>
    %get3A_23 = arith.constant 0 : index
    %get3A_24 = arith.constant 0 : index
    %get3A_25 = vector.load %arg4[%get3A_23, %get3A_24] : memref<128x128xf32, #tpu.memory_space<vmem>>, vector<128x128xf32>
    %dot_general3A_26 = arith.constant dense<0.000000e+00> : vector<10000x128xf32>
    %dot_general3A_27 = tpu.matmul %max3A_22, %get3A_25, %dot_general3A_26 {dimension_numbers = #tpu.dot_dimension_numbers<[1], [0], [0], [1], [0, 0, 1, 1], [], []>, transpose_lhs_hint = false} : vector<10000x128xf32>, vector<128x128xf32>, vector<10000x128xf32> -> vector<10000x128xf32>
    %get3A_28 = arith.constant 0 : index
    %get3A_29 = arith.constant 0 : index
    %get3A_30 = vector.load %arg5[%get3A_28, %get3A_29] : memref<1x128xf32, #tpu.memory_space<vmem>>, vector<1x128xf32>
    %add3A_31 = vector.broadcast %get3A_30 : vector<1x128xf32> to vector<10000x128xf32>
    %add3A_32 = arith.addf %dot_general3A_27, %add3A_31 : vector<10000x128xf32>
    %max3A_33 = arith.constant 0.000000e+00 : f32
    %max3A_34 = vector.broadcast %max3A_33 : f32 to vector<10000x128xf32>
    %max3A_35 = arith.maximumf %add3A_32, %max3A_34 : vector<10000x128xf32>
    %slice3A = vector.extract_strided_slice %max3A_35 {offsets = [0, 0], sizes = [10000, 64], strides = [1, 1]} : vector<10000x128xf32> to vector<10000x64xf32>
    %swap3A = arith.constant 0 : index
    %swap3A_36 = arith.constant 0 : index
    %swap3A_37 = vector.load %arg6[%swap3A, %swap3A_36] : memref<20000x64xf32, #tpu.memory_space<vmem>>, vector<10000x64xf32>
    tpu.vector_store %arg6[%swap3A, %swap3A_36], %slice3A {strides = array<i32>} : memref<20000x64xf32, #tpu.memory_space<vmem>>, vector<10000x64xf32>,
    %slice3A_38 = vector.extract_strided_slice %max3A_35 {offsets = [0, 64], sizes = [10000, 64], strides = [1, 1]} : vector<10000x128xf32> to vector<10000x64xf32>
    %swap3A_39 = arith.constant 10000 : index
    %swap3A_40 = arith.constant 0 : index
    %swap3A_41 = vector.load %arg6[%swap3A_39, %swap3A_40] : memref<20000x64xf32, #tpu.memory_space<vmem>>, vector<10000x64xf32>
    tpu.vector_store %arg6[%swap3A_39, %swap3A_40], %slice3A_38 {strides = array<i32>} : memref<20000x64xf32, #tpu.memory_space<vmem>>, vector<10000x64xf32>,
    return
  }
}

module attributes {stable_mosaic.version = 14 : i64} {
  func.func @_final_body(%arg0: memref<20224x64xf32, #tpu.memory_space<vmem>>, %arg1: memref<20000x64xf32, #tpu.memory_space<vmem>>, %arg2: memref<128x128xf32, #tpu.memory_space<vmem>>, %arg3: memref<1x128xf32, #tpu.memory_space<vmem>>, %arg4: memref<128x128xf32, #tpu.memory_space<vmem>>, %arg5: memref<1x128xf32, #tpu.memory_space<vmem>>, %arg6: memref<128x128xf32, #tpu.memory_space<vmem>>, %arg7: memref<10000x1xi32, #tpu.memory_space<vmem>>, %arg8: memref<1x10000xi32, #tpu.memory_space<vmem>>, %arg9: memref<64x64xf32, #tpu.memory_space<vmem>>, %arg10: memref<1x1xf32, #tpu.memory_space<vmem>>) attributes {dimension_semantics = [], scalar_prefetch = 0 : i64, scratch_operands = 0 : i64, tpu.core_type = #tpu.core_type<tc>} {
    %get3A = arith.constant 0 : index
    %get3A_0 = arith.constant 0 : index
    %get3A_1 = vector.load %arg0[%get3A, %get3A_0] : memref<20224x64xf32, #tpu.memory_space<vmem>>, vector<10000x64xf32>
    %get3A_2 = arith.constant 10112 : index
    %get3A_3 = arith.constant 0 : index
    %get3A_4 = vector.load %arg0[%get3A_2, %get3A_3] : memref<20224x64xf32, #tpu.memory_space<vmem>>, vector<10000x64xf32>
    %concatenate3A = tpu.concatenate %get3A_1, %get3A_4 in 1 : vector<10000x64xf32>, vector<10000x64xf32> -> vector<10000x128xf32>
    %get3A_5 = arith.constant 0 : index
    %get3A_6 = arith.constant 0 : index
    %get3A_7 = vector.load %arg1[%get3A_5, %get3A_6] : memref<20000x64xf32, #tpu.memory_space<vmem>>, vector<10000x64xf32>
    %get3A_8 = arith.constant 10000 : index
    %get3A_9 = arith.constant 0 : index
    %get3A_10 = vector.load %arg1[%get3A_8, %get3A_9] : memref<20000x64xf32, #tpu.memory_space<vmem>>, vector<10000x64xf32>
    %concatenate3A_11 = tpu.concatenate %get3A_7, %get3A_10 in 1 : vector<10000x64xf32>, vector<10000x64xf32> -> vector<10000x128xf32>
    %add3A = arith.addf %concatenate3A, %concatenate3A_11 : vector<10000x128xf32>
    %get3A_12 = arith.constant 0 : index
    %get3A_13 = arith.constant 0 : index
    %get3A_14 = vector.load %arg2[%get3A_12, %get3A_13] : memref<128x128xf32, #tpu.memory_space<vmem>>, vector<128x128xf32>
    %dot_general3A = arith.constant dense<0.000000e+00> : vector<10000x128xf32>
    %dot_general3A_15 = tpu.matmul %add3A, %get3A_14, %dot_general3A {dimension_numbers = #tpu.dot_dimension_numbers<[1], [0], [0], [1], [0, 0, 1, 1], [], []>, transpose_lhs_hint = false} : vector<10000x128xf32>, vector<128x128xf32>, vector<10000x128xf32> -> vector<10000x128xf32>
    %get3A_16 = arith.constant 0 : index
    %get3A_17 = arith.constant 0 : index
    %get3A_18 = vector.load %arg3[%get3A_16, %get3A_17] : memref<1x128xf32, #tpu.memory_space<vmem>>, vector<1x128xf32>
    %add3A_19 = vector.broadcast %get3A_18 : vector<1x128xf32> to vector<10000x128xf32>
    %add3A_20 = arith.addf %dot_general3A_15, %add3A_19 : vector<10000x128xf32>
    %max3A = arith.constant 0.000000e+00 : f32
    %max3A_21 = vector.broadcast %max3A : f32 to vector<10000x128xf32>
    %max3A_22 = arith.maximumf %add3A_20, %max3A_21 : vector<10000x128xf32>
    %get3A_23 = arith.constant 0 : index
    %get3A_24 = arith.constant 0 : index
    %get3A_25 = vector.load %arg4[%get3A_23, %get3A_24] : memref<128x128xf32, #tpu.memory_space<vmem>>, vector<128x128xf32>
    %dot_general3A_26 = arith.constant dense<0.000000e+00> : vector<10000x128xf32>
    %dot_general3A_27 = tpu.matmul %max3A_22, %get3A_25, %dot_general3A_26 {dimension_numbers = #tpu.dot_dimension_numbers<[1], [0], [0], [1], [0, 0, 1, 1], [], []>, transpose_lhs_hint = false} : vector<10000x128xf32>, vector<128x128xf32>, vector<10000x128xf32> -> vector<10000x128xf32>
    %get3A_28 = arith.constant 0 : index
    %get3A_29 = arith.constant 0 : index
    %get3A_30 = vector.load %arg5[%get3A_28, %get3A_29] : memref<1x128xf32, #tpu.memory_space<vmem>>, vector<1x128xf32>
    %add3A_31 = vector.broadcast %get3A_30 : vector<1x128xf32> to vector<10000x128xf32>
    %add3A_32 = arith.addf %dot_general3A_27, %add3A_31 : vector<10000x128xf32>
    %iota3A = tpu.iota {dimensions = array<i32: 1>} : vector<10000x64xi32>
    %get3A_33 = arith.constant 0 : index
    %get3A_34 = arith.constant 0 : index
    %get3A_35 = vector.load %arg7[%get3A_33, %get3A_34] : memref<10000x1xi32, #tpu.memory_space<vmem>>, vector<10000x1xi32>
    %eq3A = vector.broadcast %get3A_35 : vector<10000x1xi32> to vector<10000x64xi32>
    %eq3A_36 = arith.cmpi eq, %eq3A, %iota3A : vector<10000x64xi32>
    %convert_element_type3A = arith.extui %eq3A_36 : vector<10000x64xi1> to vector<10000x64xi32>
    %convert_element_type3A_37 = arith.sitofp %convert_element_type3A : vector<10000x64xi32> to vector<10000x64xf32>
    %iota3A_38 = tpu.iota {dimensions = array<i32: 0>} : vector<64x10000xi32>
    %get3A_39 = arith.constant 0 : index
    %get3A_40 = arith.constant 0 : index
    %get3A_41 = vector.load %arg8[%get3A_39, %get3A_40] : memref<1x10000xi32, #tpu.memory_space<vmem>>, vector<1x10000xi32>
    %eq3A_42 = vector.broadcast %get3A_41 : vector<1x10000xi32> to vector<64x10000xi32>
    %eq3A_43 = arith.cmpi eq, %eq3A_42, %iota3A_38 : vector<64x10000xi32>
    %convert_element_type3A_44 = arith.extui %eq3A_43 : vector<64x10000xi1> to vector<64x10000xi32>
    %convert_element_type3A_45 = arith.sitofp %convert_element_type3A_44 : vector<64x10000xi32> to vector<64x10000xf32>
    %dot_general3A_46 = arith.constant dense<0.000000e+00> : vector<64x128xf32>
    %dot_general3A_47 = tpu.matmul %convert_element_type3A_45, %add3A_32, %dot_general3A_46 {dimension_numbers = #tpu.dot_dimension_numbers<[1], [0], [0], [1], [0, 0, 1, 1], [], []>, transpose_lhs_hint = false} : vector<64x10000xf32>, vector<10000x128xf32>, vector<64x128xf32> -> vector<64x128xf32>
    %reduce_sum3A = arith.constant dense<0.000000e+00> : vector<64xf32>
    %reduce_sum3A_48 = vector.multi_reduction <add>, %convert_element_type3A_45, %reduce_sum3A [1] : vector<64x10000xf32> to vector<64xf32>
    %broadcast_in_dim3A = vector.shape_cast %reduce_sum3A_48 : vector<64xf32> to vector<64x1xf32>
    %max3A_49 = arith.constant 1.000000e+00 : f32
    %max3A_50 = vector.broadcast %max3A_49 : f32 to vector<64x1xf32>
    %max3A_51 = arith.maximumf %broadcast_in_dim3A, %max3A_50 : vector<64x1xf32>
    %div3A = vector.broadcast %max3A_51 : vector<64x1xf32> to vector<64x128xf32>
    %div3A_52 = arith.divf %dot_general3A_47, %div3A : vector<64x128xf32>
    %neg3A = arith.constant 0.000000e+00 : f32
    %neg3A_53 = vector.broadcast %neg3A : f32 to vector<64x128xf32>
    %neg3A_54 = arith.subf %neg3A_53, %div3A_52 : vector<64x128xf32>
    %exp3A = math.exp %neg3A_54 : vector<64x128xf32>
    %add3A_55 = arith.constant 1.000000e+00 : f32
    %add3A_56 = vector.broadcast %add3A_55 : f32 to vector<64x128xf32>
    %add3A_57 = arith.addf %add3A_56, %exp3A : vector<64x128xf32>
    %div3A_58 = arith.constant 1.000000e+00 : f32
    %div3A_59 = vector.broadcast %div3A_58 : f32 to vector<64x128xf32>
    %div3A_60 = arith.divf %div3A_59, %add3A_57 : vector<64x128xf32>
    %get3A_61 = arith.constant 0 : index
    %get3A_62 = arith.constant 0 : index
    %get3A_63 = vector.load %arg9[%get3A_61, %get3A_62] : memref<64x64xf32, #tpu.memory_space<vmem>>, vector<64x64xf32>
    %dot_general3A_64 = arith.constant dense<0.000000e+00> : vector<64x128xf32>
    %dot_general3A_65 = tpu.matmul %get3A_63, %div3A_60, %dot_general3A_64 {dimension_numbers = #tpu.dot_dimension_numbers<[1], [0], [0], [1], [0, 0, 1, 1], [], []>, transpose_lhs_hint = false} : vector<64x64xf32>, vector<64x128xf32>, vector<64x128xf32> -> vector<64x128xf32>
    %get3A_66 = arith.constant 0 : index
    %get3A_67 = arith.constant 0 : index
    %get3A_68 = vector.load %arg6[%get3A_66, %get3A_67] : memref<128x128xf32, #tpu.memory_space<vmem>>, vector<128x128xf32>
    %dot_general3A_69 = arith.constant dense<0.000000e+00> : vector<10000x128xf32>
    %dot_general3A_70 = tpu.matmul %add3A_32, %get3A_68, %dot_general3A_69 {dimension_numbers = #tpu.dot_dimension_numbers<[1], [0], [0], [1], [0, 0, 1, 1], [], []>, transpose_lhs_hint = false} : vector<10000x128xf32>, vector<128x128xf32>, vector<10000x128xf32> -> vector<10000x128xf32>
    %dot_general3A_71 = arith.constant dense<0.000000e+00> : vector<10000x128xf32>
    %dot_general3A_72 = tpu.matmul %convert_element_type3A_37, %div3A_60, %dot_general3A_71 {dimension_numbers = #tpu.dot_dimension_numbers<[1], [0], [0], [1], [0, 0, 1, 1], [], []>, transpose_lhs_hint = false} : vector<10000x64xf32>, vector<64x128xf32>, vector<10000x128xf32> -> vector<10000x128xf32>
    %dot_general3A_73 = arith.constant dense<0.000000e+00> : vector<10000x128xf32>
    %dot_general3A_74 = tpu.matmul %convert_element_type3A_37, %dot_general3A_65, %dot_general3A_73 {dimension_numbers = #tpu.dot_dimension_numbers<[1], [0], [0], [1], [0, 0, 1, 1], [], []>, transpose_lhs_hint = false} : vector<10000x64xf32>, vector<64x128xf32>, vector<10000x128xf32> -> vector<10000x128xf32>
    %mul3A = arith.mulf %dot_general3A_70, %dot_general3A_72 : vector<10000x128xf32>
    %reduce_sum3A_75 = arith.constant dense<0.000000e+00> : vector<10000xf32>
    %reduce_sum3A_76 = vector.multi_reduction <add>, %mul3A, %reduce_sum3A_75 [1] : vector<10000x128xf32> to vector<10000xf32>
    %broadcast_in_dim3A_77 = vector.shape_cast %reduce_sum3A_76 : vector<10000xf32> to vector<10000x1xf32>
    %neg3A_78 = arith.constant 0.000000e+00 : f32
    %neg3A_79 = vector.broadcast %neg3A_78 : f32 to vector<10000x1xf32>
    %neg3A_80 = arith.subf %neg3A_79, %broadcast_in_dim3A_77 : vector<10000x1xf32>
    %exp3A_81 = math.exp %neg3A_80 : vector<10000x1xf32>
    %add3A_82 = arith.constant 1.000000e+00 : f32
    %add3A_83 = vector.broadcast %add3A_82 : f32 to vector<10000x1xf32>
    %add3A_84 = arith.addf %add3A_83, %exp3A_81 : vector<10000x1xf32>
    %div3A_85 = arith.constant 1.000000e+00 : f32
    %div3A_86 = vector.broadcast %div3A_85 : f32 to vector<10000x1xf32>
    %div3A_87 = arith.divf %div3A_86, %add3A_84 : vector<10000x1xf32>
    %mul3A_88 = arith.mulf %dot_general3A_70, %dot_general3A_74 : vector<10000x128xf32>
    %reduce_sum3A_89 = arith.constant dense<0.000000e+00> : vector<10000xf32>
    %reduce_sum3A_90 = vector.multi_reduction <add>, %mul3A_88, %reduce_sum3A_89 [1] : vector<10000x128xf32> to vector<10000xf32>
    %broadcast_in_dim3A_91 = vector.shape_cast %reduce_sum3A_90 : vector<10000xf32> to vector<10000x1xf32>
    %neg3A_92 = arith.constant 0.000000e+00 : f32
    %neg3A_93 = vector.broadcast %neg3A_92 : f32 to vector<10000x1xf32>
    %neg3A_94 = arith.subf %neg3A_93, %broadcast_in_dim3A_91 : vector<10000x1xf32>
    %exp3A_95 = math.exp %neg3A_94 : vector<10000x1xf32>
    %add3A_96 = arith.constant 1.000000e+00 : f32
    %add3A_97 = vector.broadcast %add3A_96 : f32 to vector<10000x1xf32>
    %add3A_98 = arith.addf %add3A_97, %exp3A_95 : vector<10000x1xf32>
    %div3A_99 = arith.constant 1.000000e+00 : f32
    %div3A_100 = vector.broadcast %div3A_99 : f32 to vector<10000x1xf32>
    %div3A_101 = arith.divf %div3A_100, %add3A_98 : vector<10000x1xf32>
    %add3A_102 = arith.constant 1.000000e-15 : f32
    %add3A_103 = vector.broadcast %add3A_102 : f32 to vector<10000x1xf32>
    %add3A_104 = arith.addf %div3A_87, %add3A_103 : vector<10000x1xf32>
    %max3A_105 = arith.constant 1.000000e-15 : f32
    %max3A_106 = vector.broadcast %max3A_105 : f32 to vector<10000x1xf32>
    %max3A_107 = arith.maximumf %add3A_104, %max3A_106 : vector<10000x1xf32>
    %log3A = math.log %max3A_107 : vector<10000x1xf32>
    %reduce_sum3A_108 = vector.shape_cast %log3A : vector<10000x1xf32> to vector<1x10000x1xf32>
    %reduce_sum3A_109 = arith.constant dense<0.000000e+00> : vector<1xf32>
    %reduce_sum3A_110 = vector.multi_reduction <add>, %reduce_sum3A_108, %reduce_sum3A_109 [1, 2] : vector<1x10000x1xf32> to vector<1xf32>
    %reduce_sum3A_111 = vector.shape_cast %reduce_sum3A_110 : vector<1xf32> to vector<1x1x1xf32>
    %reduce_sum3A_112 = vector.extract %reduce_sum3A_111[0, 0, 0] : f32 from vector<1x1x1xf32>
    %sub3A = arith.constant 1.000000e+00 : f32
    %sub3A_113 = vector.broadcast %sub3A : f32 to vector<10000x1xf32>
    %sub3A_114 = arith.subf %sub3A_113, %div3A_101 : vector<10000x1xf32>
    %add3A_115 = arith.constant 1.000000e-15 : f32
    %add3A_116 = vector.broadcast %add3A_115 : f32 to vector<10000x1xf32>
    %add3A_117 = arith.addf %sub3A_114, %add3A_116 : vector<10000x1xf32>
    %max3A_118 = arith.constant 1.000000e-15 : f32
    %max3A_119 = vector.broadcast %max3A_118 : f32 to vector<10000x1xf32>
    %max3A_120 = arith.maximumf %add3A_117, %max3A_119 : vector<10000x1xf32>
    %log3A_121 = math.log %max3A_120 : vector<10000x1xf32>
    %reduce_sum3A_122 = vector.shape_cast %log3A_121 : vector<10000x1xf32> to vector<1x10000x1xf32>
    %reduce_sum3A_123 = arith.constant dense<0.000000e+00> : vector<1xf32>
    %reduce_sum3A_124 = vector.multi_reduction <add>, %reduce_sum3A_122, %reduce_sum3A_123 [1, 2] : vector<1x10000x1xf32> to vector<1xf32>
    %reduce_sum3A_125 = vector.shape_cast %reduce_sum3A_124 : vector<1xf32> to vector<1x1x1xf32>
    %reduce_sum3A_126 = vector.extract %reduce_sum3A_125[0, 0, 0] : f32 from vector<1x1x1xf32>
    %add3A_127 = arith.addf %reduce_sum3A_112, %reduce_sum3A_126 : f32
    %neg3A_128 = arith.constant 0.000000e+00 : f32
    %neg3A_129 = arith.subf %neg3A_128, %add3A_127 : f32
    %div3A_130 = arith.constant 1.000000e+04 : f32
    %div3A_131 = arith.divf %neg3A_129, %div3A_130 : f32
    %broadcast_in_dim3A_132 = vector.broadcast %div3A_131 : f32 to vector<1x1xf32>
    %swap3A = arith.constant 0 : index
    %swap3A_133 = arith.constant 0 : index
    %swap3A_134 = vector.load %arg10[%swap3A, %swap3A_133] : memref<1x1xf32, #tpu.memory_space<vmem>>, vector<1x1xf32>
    tpu.vector_store %arg10[%swap3A, %swap3A_133], %broadcast_in_dim3A_132 {strides = array<i32>} : memref<1x1xf32, #tpu.memory_space<vmem>>, vector<1x1xf32>,
    return
  }
}

</mosaic_0001>

<sc_bundles>
// kernel: kernel.6.cloned.1.call-start
scs
__scs_entry_jumppad:
0x0: {  	(pc) =	sbr.rel $0x88, $3  }
0x1: {  	(tag) =	ssettag $0x0;
	lr =	simm.s32 $0x1  }
0x2: {  	[smem:$0x3F95] =	sst lr;
	_ =	strace $0xD0000000  }
0x3: {  	_ = 	snop  }
0x4: {  	_ = 	snop  }
0x5: {  	_ = 	snop  }
0x6: {  	_ = 	snop  }
0x7: {  	_ = 	snop  }
__scs_overlays_trampoline_lowered:
0x8: {  	[smem:$0x3FA4] =	sst s0  }
0x9: {  	[smem:$0x3FA5] =	sst s1  }
0xa: {  	[smem:$0x3FA6] =	sst s2  }
0xb: {  	[smem:$0x3FA7] =	sst s3  }
0xc: {  	[smem:$0x3FA8] =	sst s4  }
0xd: {  	[smem:$0x3FA9] =	sst s5  }
0xe: {  	[smem:$0x3FAA] =	sst s6  }
0xf: {  	[smem:$0x3FAB] =	sst s7  }
0x10: {  	[smem:$0x3FAC] =	sst s8  }
0x11: {  	[smem:$0x3FAD] =	sst s9;
	s0 =	simm.s32 @!p0 $0x0  }
0x12: {  	s1 =	sld [smem:$0x3F93];
	s0 =	simm.s32 @p0 $0x1  }
0x13: {  	[smem:$0x3FAE] =	sst s0;
	s0 =	simm.s32 @!p1 $0x0  }
0x14: {  	s2 =	sld [smem:$0x3F92];
	s0 =	simm.s32 @p1 $0x1  }
0x15: {  	[smem:$0x3FAF] =	sst s0;
	s0 =	simm.s32 @!p2 $0x0  }
0x16: {  	s3 =	sld [smem:$0x3FDB];
	s0 =	simm.s32 @p2 $0x1  }
0x17: {  	s4 =	simm.s32 $0x1BF5;
	[smem:$0x3FB1] =	sst s0  }
0x18: {  	s0 =	sld [smem:$0x3F94];
	_ =	swait.ge [sflag:s4], $0x0  }
0x19: {  	s7 =	sld [smem:$0x3F95]  }
0x1a: {  	s8 =	sadd.s32 $0xFFFFE003, lr  }
0x1b: {  	s9 =	sadd.s32 $0xFFFFFEF7, lr;
	s5 =	simm.s32 $0xFFFFFFFF;
	p2 =	slt.u32 s8, $0xFFFFF086  }
0x1c: {  	p1 =	slt.u32 s9, $0xF7A;
	s5 =	simm.s32 @!p2 $0x0  }
0x1d: {  	s5 =	simm.s32 @p1 $0x1;
	p0 =	seq.s32 s7, s2  }
0x1e: {  	s7 =	smul.u32 @!p0 $0xF7A, s2;
	p2 =	seq.s32 @!p0 s5, $0x0  }
0x1f: {  	s9 =	smul.u32 $0xF7A, s1;
	s8 =	simm.s32 @!p0 $0x1BF5;
	p2 =	por !p2, p0  }
0x20: {  	[sflag:s8] =	ssyncset.s32 @!p0 $0xFFFFF086;
	s6 =	sadd.s32 @!p0 s3, s7;
	s7 =	simm.s32 @!p0 $0x108  }
0x21: {  	s3 =	sadd.s32 s3, s9;
	s6 =	sadd.s32 @!p0 $0x88, s6;
	s7 =	simm.s32 @p2 $0x1082  }
0x22: {  	[simem:s7], [sflag:s8] =	dma.local @!p0 [hbm:s6], $0xF7A  }
0x23: {  	s9 =	sor.u32 $0xD0000000, s2;
	s6 =	simm.s32 $0x108;
	_ =	swait.ge @!p0 [sflag:s8], $0x0  }
0x24: {  	s3 =	sadd.s32 $0x88, s3;
	s6 =	simm.s32 @!p1 $0x1082;
	[sflag:s4] =	ssyncset.s32 $0xFFFFF086  }
0x25: {  	[simem:s6], [sflag:s4] =	dma.local [hbm:s3], $0xF7A  }
0x26: {  	[smem:$0x3F95] =	sst s1;
	(tag) =	ssettag s2;
	_ =	strace s9  }
0x27: {  	s1 =	sld [smem:$0x3FA5]  }
0x28: {  	s2 =	sld [smem:$0x3FA6]  }
0x29: {  	s4 =	sld [smem:$0x3FA8]  }
0x2a: {  	p0 =	seq.s32 s5, $0x0;
	s5 =	sld [smem:$0x3FA9]  }
0x2b: {  	s6 =	sld [smem:$0x3FAA]  }
0x2c: {  	s7 =	sld [smem:$0x3FAB]  }
0x2d: {  	s3 =	simm.s32 $0x108;
	s8 =	sld [smem:$0x3FAC]  }
0x2e: {  	s3 =	simm.s32 @!p0 $0x1082;
	s9 =	sld [smem:$0x3FAD]  }
0x2f: {  	lr =	sadd.s32 s0, s3;
	s0 =	sld [smem:$0x3FA4]  }
0x30: {  	s3 =	sld [smem:$0x3FA7]  }
0x31: {  	[smem:$0x3FB0] =	sst s10  }
0x32: {  	s10 =	sld [smem:$0x3FAE];
	_ =	sdelay $0x3  }
0x33: {  	p0 =	seq.s32 s10, $0x1;
	s10 =	sld [smem:$0x3FB0];
	_ =	sdelay $0x3  }
0x34: {  	[smem:$0x3FB0] =	sst s10  }
0x35: {  	s10 =	sld [smem:$0x3FAF];
	_ =	sdelay $0x3  }
0x36: {  	p1 =	seq.s32 s10, $0x1;
	s10 =	sld [smem:$0x3FB0];
	_ =	sdelay $0x3  }
0x37: {  	[smem:$0x3FB0] =	sst s10  }
0x38: {  	s10 =	sld [smem:$0x3FB1]  }
0x39: {  	_ = 	snop;
	(pc) =	sbr.ind lr, $3  }
0x3a: {  	_ = 	snop  }
0x3b: {  	_ = 	snop  }
0x3c: {  	p2 =	seq.s32 s10, $0x1;
	s10 =	sld [smem:$0x3FB0]  }
0x3d: {  	_ =	shalt  }
0x3e: {  	_ =	shalt  }
0x3f: {  	_ =	shalt  }
0x40: {  	_ =	shalt  }
0x41: {  	_ =	shalt  }
0x42: {  	_ =	shalt  }
0x43: {  	_ =	shalt  }
0x44: {  	_ =	shalt  }
0x45: {  	_ =	shalt  }
0x46: {  	_ =	shalt  }
0x47: {  	_ =	shalt  }
0x48: {  	_ =	shalt  }
0x49: {  	_ =	shalt  }
0x4a: {  	_ =	shalt  }
0x4b: {  	_ =	shalt  }
0x4c: {  	_ =	shalt  }
0x4d: {  	_ =	shalt  }
0x4e: {  	_ =	shalt  }
0x4f: {  	_ =	shalt  }
0x50: {  	_ =	shalt  }
0x51: {  	_ =	shalt  }
0x52: {  	_ =	shalt  }
0x53: {  	_ =	shalt  }
0x54: {  	_ =	shalt  }
0x55: {  	_ =	shalt  }
0x56: {  	_ =	shalt  }
0x57: {  	_ =	shalt  }
0x58: {  	_ =	shalt  }
0x59: {  	_ =	shalt  }
0x5a: {  	_ =	shalt  }
0x5b: {  	_ =	shalt  }
0x5c: {  	_ =	shalt  }
0x5d: {  	_ =	shalt  }
0x5e: {  	_ =	shalt  }
0x5f: {  	_ =	shalt  }
0x60: {  	_ =	shalt  }
0x61: {  	_ =	shalt  }
0x62: {  	_ =	shalt  }
0x63: {  	_ =	shalt  }
0x64: {  	_ =	shalt  }
0x65: {  	_ =	shalt  }
0x66: {  	_ =	shalt  }
0x67: {  	_ =	shalt  }
0x68: {  	_ =	shalt  }
0x69: {  	_ =	shalt  }
0x6a: {  	_ =	shalt  }
0x6b: {  	_ =	shalt  }
0x6c: {  	_ =	shalt  }
0x6d: {  	_ =	shalt  }
0x6e: {  	_ =	shalt  }
0x6f: {  	_ =	shalt  }
0x70: {  	_ =	shalt  }
0x71: {  	_ =	shalt  }
0x72: {  	_ =	shalt  }
0x73: {  	_ =	shalt  }
0x74: {  	_ =	shalt  }
0x75: {  	_ =	shalt  }
0x76: {  	_ =	shalt  }
0x77: {  	_ =	shalt  }
0x78: {  	_ =	shalt  }
0x79: {  	_ =	shalt  }
0x7a: {  	_ =	shalt  }
0x7b: {  	_ =	shalt  }
0x7c: {  	_ =	shalt  }
0x7d: {  	_ =	shalt  }
0x7e: {  	_ =	shalt  }
0x7f: {  	_ =	shalt  }
0x80: {  	_ =	shalt  }
0x81: {  	_ =	shalt  }
0x82: {  	_ =	shalt  }
0x83: {  	_ =	shalt  }
0x84: {  	_ =	shalt  }
0x85: {  	_ =	shalt  }
0x86: {  	_ =	shalt  }
0x87: {  	_ =	shalt  }
.Lfunc_end0:
.L_simem_size_0:
called_computation_lowered:
.L_overlay_start_0:
0x88: {  	s2 =	sld [smem:$0x3FD9]  }
0x89: {  	s3 =	sld [smem:$0x3FFE];
	_ =	sdelay $0x1  }
0x8a: {  	s1 =	srdreg.scid  }
0x8b: {  	s0 =	sand.u32 $0x1, s1  }
0x8c: {  	s16 =	sshll.u32 s0, $0xA;
	s2 =	sadd.s32 s3, s2  }
0x8d: {  	s2 =	sadd.s32 s2, s16  }
0x8e: {  	[smem:$0x3FBC] =	sst s2  }
0x8f: {  	_ = 	snop  }
0x90: {  	(tm) =	ssettm $0x1  }
0x91: {  	s17 =	sld [smem:$0x3FFB];
	_ =	sdelay $0x3  }
0x92: {  	_ =	strace s17  }
0x93: {  	s2 =	sld [smem:$0x3FFC];
	_ =	sdelay $0x3  }
0x94: {  	_ =	strace s2  }
0x95: {  	s2 =	sld [smem:$0x3FFD];
	_ =	sdelay $0x3  }
0x96: {  	_ =	strace s2  }
0x97: {  	_ =	strace $0x8FFFFFFF  }
0x98: {  	s18 =	sld [smem:$0x3FDB];
	_ =	sdelay $0x1  }
0x99: {  	s19 =	simm.s32 $_scs_section_size  }
0x9a: {  	s4 =	simm.s32 $_size__tile_overlayer_lowered;
	s5 =	simm.s32 $_tile_overlayer_lowered  }
0x9b: {  	s22 =	simm.s32 $0x1BFF;
	s21 =	sshll.u32 s5, $0x1;
	s2 =	sadd.s32 s19, s18  }
0x9c: {  	s6 =	simm.s32 $0x0;
	s20 =	sshll.u32 s4, $0x1;
	s4 =	sadd.s32 s21, s2  }
0x9d: {  	[timem:s6], [sflag:s22] =	dma.local [hbm:s4], s20  }
0x9e: {  	_ =	swait.ge [sflag:s22], s20  }
0x9f: {  	s3 =	ssub.s32 $0x0, s20;
	[sflag:s22] =	ssyncset.done $0x0  }
0xa0: {  	[sflag:s22] =	ssyncadd.s32 s3;
	_ =	sdelay $0x1  }
0xa1: {  	s23 =	simm.s32 $0x1B8B  }
0xa2: {  	_ =	swait.ge [sflag:s23], $0x1  }
0xa3: {  	[sflag:s23] =	ssyncset.done $0x0  }
0xa4: {  	s25 =	simm.s32 $0x1B8E;
	s24 =	sld [smem:$0x3FFE];
	[sflag:s23] =	ssyncadd.s32 $0xFFFFFFFF  }
0xa5: {  	s26 =	simm.s32 $execute0_lowered;
	[smem:$0x3FD2] =	sst s25  }
0xa6: {  	s4 =	sshll.u32 s26, $0x1;
	_ =	strace $0x80000046;
	[dreg:$0x1] =	wrdreg $0xFFFFFFFF  }
0xa7: {  	s28 =	simm.s32 $_size_execute0_lowered;
	s2 =	sadd.s32 s2, s4;
	[dreg:$0x0] =	wrdreg $0x0  }
0xa8: {  	s4 =	sshll.u32 s28, $0x1;
	[dreg:$0x2] =	wrdreg s2  }
0xa9: {  	[dreg:$0x3] =	wrdreg s4  }
0xaa: {  	[dreg:$0x4] =	wrdreg $0xC0  }
0xab: {  	_ =	task [dreg:s6], $0x5FFFF  }
0xac: {  	[dreg:$0x1] =	wrdreg $0xFFFFFFFF  }
0xad: {  	[dreg:$0x0] =	wrdreg $0x60  }
0xae: {  	[dreg:$0x2] =	wrdreg s24  }
0xaf: {  	[dreg:$0x3] =	wrdreg $0x120000  }
0xb0: {  	[dreg:$0x4] =	wrdreg $0x9  }
0xb1: {  	_ =	task.clear_ibuf [dreg:s6], $0x5FFFF;
	_ =	strace $0x90000046  }
0xb2: {  	s29 =	simm.s32 $0x9;
	_ =	strace $0x80000048  }
0xb3: {  	_ =	swait.ge [sflag:s29], $0x1  }
0xb4: {  	[sflag:s29] =	ssyncadd.s32 $0xFFFFFFFF  }
0xb5: {  	_ =	strace $0x90000048  }
0xb6: {  	_ =	sfence  }
0xb7: {  	s30 =	sld [smem:$0x0];
	_ =	sdelay $0x2  }
0xb8: {  	s31 =	sshll.u32 s1, $0xD;
	s1 =	sshrl.u32 s1, $0x2  }
0xb9: {  	s3 =	sand.u32 $0x4000, s31;
	s1 =	sadd.s32 s1, s30  }
0xba: {  	s0 =	sor.u32 s3, s0;
	s1 =	sshll.u32 s1, $0x11  }
0xbb: {  	s0 =	sor.u32 s1, s0  }
0xbc: {  	s0 =	sadd.s32 $0x8F2B, s0  }
0xbd: {  	[sflag:s0] =	ssyncadd.remote.s32 $0x1  }
0xbe: {  	_ =	sfence.sel $0xFFFF  }
0xbf: {  	[dreg:$0x0] =	wrdreg $0xFFFFFFFF;
	(pc) =	sbr.abs _section_cstart, $3  }
0xc0: {  	[dreg:$0x1] =	wrdreg $0xFFFFFFFF  }
0xc1: {  	_ =	task.clear_ibuf [dreg:s6], $0x2FFFF;
	_ =	strace $0x9FFFFFFF  }
0xc2: {  	(tm) =	ssettm $0x7FFFFFFF  }
0xc3: {  	_ =	shalt  }
tec
execute0_lowered:
.L_overlay_start_1:
0x0: {  	(tag) =	ssettag $0x1  }
0x1: {  	s0 =	rddreg [dreg:$0x0]  }
0x2: {  	s2 =	rddreg [dreg:$0x1]  }
0x3: {  	s6 =	stileid.u32;
	s4 =	srdreg.scid;
	s3 =	simm.s32 $0x0  }
0x4: {  	s18 =	simm.s32 $0x5;
	s20 =	simm.s32 $0xA000;
	s21 =	simm.s32 $0x80  }
0x5: {  	s22 =	simm.s32 $0xC000;
	s26 =	simm.s32 $0x10000;
	s28 =	simm.s32 $0x1  }
0x6: {  	s29 =	simm.s32 $0x2;
	s30 =	simm.s32 $0x3;
	s1 =	smul.u32 $0xA00, s6  }
0x7: {  	s31 =	simm.s32 $0x4;
	s8 =	sand.u32 $0x1, s4;
	s23 =	smul.u32 $0x278, s6  }
0x8: {  	[smem:$0x7FF] =	sst s3;
	s6 =	smul.u32 $0x27800, s6;
	s4 =	sadd.s32 $0xA00, s0  }
0x9: {  	s5 =	smul.u32 $0x2780, s8;
	_ =	strace $0x80000047;
	s7 =	ssub.s32 $0x2, s8  }
0xa: {  	s25 =	smul.u32 $0x2710, s8;
	s1 =	sadd.s32 s1, s0;
	s24 =	sshrl.u32 s7, $0x1  }
0xb: {  	s6 =	sshrl.u32 s6, $0x2;
	s5 =	sadd.s32 s23, s5;
	s10 =	ssub.s32 s7, s24  }
0xc: {  	s6 =	sadd.s32 s6, s2;
	s7 =	sadd.s32 $0x27C00, s1;
	s24 =	simm.s32 $0xE000  }
0xd: {  	v0 =	vmov s25;
	s23 =	simm.s32 $0x9F80;
	s25 =	simm.s32 $0x0;
	s5 =	sshll.u32 s5, $0x3  }
0xe: {  	s8 =	sadd.s32 $0x8000, s6;
	s10 =	smax.u32 s10, $0x1;
	s11 =	sadd.s32 $0x2000, s6  }
0xf: {  	s12 =	sadd.s32 $0x4000, s6;
	s13 =	sadd.s32 $0x6000, s6;
	s0 =	sadd.s32 s5, s0  }
0x10: {  	s5 =	sadd.s32 $0x31C00, s1;
	s9 =	sadd.s32 $0x3CC00, s0;
	s14 =	sadd.s32 $0x3BC00, s0  }
0x11: {  	v1 =	vimm.f32 $0.0e+00;
	s15 =	sadd.s32 $0x3C000, s0;
	s16 =	sadd.s32 $0x3C400, s0;
	s17 =	sadd.s32 $0x3C800, s0  }
.LBB2_1:
0x12: {  	[tilespmem:s3], [sflag:$0x5] =	stream.linear.gather [hbm4b:s5+s3], $0x5000, $0x38;
	[tilespmem:$0x1BE00] =	vst v63  }
0x13: {  	_ =	swait.ge [sflag:s18], $0x5000  }
0x14: {  	[sflag:s18] =	ssyncset.done $0x0  }
0x15: {  	s0 =	simm.s32 $0x5000;
	[sflag:s18] =	ssyncadd.s32 $0xFFFFB000  }
0x16: {  	[tilespmem:s0], [sflag:$0x5] =	stream.linear.gather [hbm4b:s7+s3], $0x5000, $0x38;
	[tilespmem:$0x1BE00] =	vst v63  }
0x17: {  	_ =	swait.ge [sflag:s18], $0x5000  }
0x18: {  	[sflag:s18] =	ssyncset.done $0x0  }
0x19: {  	s0 =	simm.s32 $0x0;
	[sflag:s18] =	ssyncadd.s32 $0xFFFFB000  }
0x1a: {  	v4 =	vld [tilespmem:s0+$0x0]  }
0x1b: {  	v6 =	vld [tilespmem:s0+$0x10]  }
0x1c: {  	v5 =	vld [tilespmem:s0+$0x20]  }
0x1d: {  	v3 =	vld [tilespmem:s0+$0x30]  }
0x1e: {  	v2 =	vld [tilespmem:s0+$0x40]  }
0x1f: {  	v7 =	vadd.s32 v0, v4;
	v4 =	vld [tilespmem:s0+$0x50]  }
0x20: {  	s1 =	simm.s32 $0x200;
	[tilespmem:s0+$0x0] =	vst v7;
	v7 =	vadd.s32 v0, v6;
	v6 =	vld [tilespmem:s0+$0x60]  }
.LBB2_2:
0x21: {  	s19 =	sshra.s32 s1, $0x2;
	p0 =	sne.s32 s1, $0x13E00;
	[tilespmem:s0+$0x10] =	vst v7;
	v5 =	vadd.s32 v0, v5;
	v7 =	vld [tilespmem:s0+$0x70]  }
0x22: {  	v8 =	vld [tilespmem:s19+$0x0];
	[tilespmem:s0+$0x20] =	vst v5;
	v3 =	vadd.s32 v0, v3  }
0x23: {  	v9 =	vld [tilespmem:s19+$0x10];
	[tilespmem:s0+$0x30] =	vst v3;
	v2 =	vadd.s32 v0, v2  }
.Ltmp0:
0x24: {  	v5 =	vld [tilespmem:s19+$0x20];
	[tilespmem:s0+$0x40] =	vst v2;
	v2 =	vadd.s32 v0, v4;
	(pc) =	sbr.rel @p0 .LBB2_2-.Ltmp0, $4  }
0x25: {  	v3 =	vld [tilespmem:s19+$0x30];
	[tilespmem:s0+$0x50] =	vst v2;
	v4 =	vadd.s32 v0, v6  }
0x26: {  	v2 =	vld [tilespmem:s19+$0x40];
	[tilespmem:s0+$0x60] =	vst v4;
	v6 =	vadd.s32 v0, v7  }
0x27: {  	v7 =	vadd.s32 v0, v8;
	v4 =	vld [tilespmem:s19+$0x50];
	[tilespmem:s0+$0x70] =	vst v6;
	s0 =	smov.u32 s19  }
0x28: {  	s1 =	sadd.s32 $0x200, s1;
	[tilespmem:s0+$0x0] =	vst v7;
	v7 =	vadd.s32 v0, v9;
	v6 =	vld [tilespmem:s0+$0x60]  }
0x29: {  	[tilespmem:s0+$0x10] =	vst v7;
	v5 =	vadd.s32 v0, v5;
	v63 =	vld [tilespmem:s0+$0x70]  }
0x2a: {  	[tilespmem:s0+$0x20] =	vst v5;
	v3 =	vadd.s32 v0, v3  }
0x2b: {  	[tilespmem:s0+$0x30] =	vst v3;
	v2 =	vadd.s32 v0, v2  }
0x2c: {  	[tilespmem:s0+$0x40] =	vst v2;
	v2 =	vadd.s32 v0, v4  }
0x2d: {  	[tilespmem:s0+$0x50] =	vst v2;
	v2 =	vadd.s32 v0, v6  }
0x2e: {  	[tilespmem:s0+$0x60] =	vst v2;
	v2 =	vadd.s32 v0, v63  }
0x2f: {  	s1 =	simm.s32 $0x100;
	[tilespmem:s0+$0x70] =	vst v2;
	s0 =	simm.s32 $0x0  }
.LBB2_4:
0x30: {  	p0 =	sne.s32 s1, $0x7F00;
	[tilespmem:s0+$0xA030] =	vst v1;
	s19 =	smov.u32 s1;
	s1 =	sadd.s32 $0x100, s1  }
.Ltmp1:
0x31: {  	[tilespmem:s0+$0xA020] =	vst v1;
	(pc) =	sbr.rel @p0 .LBB2_4-.Ltmp1, $3  }
0x32: {  	[tilespmem:s0+$0xA000] =	vst v1  }
0x33: {  	[tilespmem:s0+$0xA010] =	vst v1;
	_ =	sdelay $0x1  }
0x34: {  	s0 =	sshra.s32 s19, $0x2  }
0x35: {  	[tilespmem:s0+$0xA030] =	vst v1  }
0x36: {  	[tilespmem:s0+$0xA020] =	vst v1  }
0x37: {  	[tilespmem:s0+$0xA000] =	vst v1  }
0x38: {  	[tilespmem:s0+$0xA010] =	vst v1  }
0x39: {  	[spmem:s6] =	stream.linear.scatter [tilespmem:s20], [sflag:$0x5], $0x2000, $0x38;
	[tilespmem:$0x1BE00] =	vst v63  }
0x3a: {  	_ =	swait.ge [sflag:s18], $0x2000  }
0x3b: {  	[sflag:s18] =	ssyncset.done $0x0  }
0x3c: {  	[sflag:s18] =	ssyncadd.s32 $0xFFFFE000  }
0x3d: {  	[spmem:s11] =	stream.linear.scatter [tilespmem:s20], [sflag:$0x5], $0x2000, $0x38;
	[tilespmem:$0x1BE00] =	vst v63  }
0x3e: {  	_ =	swait.ge [sflag:s18], $0x2000  }
0x3f: {  	[sflag:s18] =	ssyncset.done $0x0  }
0x40: {  	[sflag:s18] =	ssyncadd.s32 $0xFFFFE000  }
0x41: {  	[spmem:s12] =	stream.linear.scatter [tilespmem:s20], [sflag:$0x5], $0x2000, $0x38;
	[tilespmem:$0x1BE00] =	vst v63  }
0x42: {  	_ =	swait.ge [sflag:s18], $0x2000  }
0x43: {  	[sflag:s18] =	ssyncset.done $0x0  }
0x44: {  	[sflag:s18] =	ssyncadd.s32 $0xFFFFE000  }
0x45: {  	[spmem:s13] =	stream.linear.scatter [tilespmem:s20], [sflag:$0x5], $0x2000, $0x38;
	[tilespmem:$0x1BE00] =	vst v63  }
0x46: {  	_ =	swait.ge [sflag:s18], $0x2000  }
0x47: {  	[sflag:s18] =	ssyncset.done $0x0  }
0x48: {  	[sflag:s18] =	ssyncadd.s32 $0xFFFFE000  }
0x49: {  	[spmem:s8] =	stream.linear.scatter [tilespmem:s20], [sflag:$0x5], $0x1E00, $0x38;
	[tilespmem:$0x1BE00] =	vst v63  }
0x4a: {  	_ =	swait.ge [sflag:s18], $0x1E00  }
0x4b: {  	[sflag:s18] =	ssyncset.done $0x0  }
0x4c: {  	[sflag:s18] =	ssyncadd.s32 $0xFFFFE200  }
0x4d: {  	s1 =	simm.s32 $0x0;
	[bflag:$0x0] =	sbarrier.arrive $0xFFFF  }
0x4e: {  	[tilespmem:s20], [sflag:$0x1] =	stream.indirect.gather [hbm4b:s4+s21], $0x40, s1, s21, $0xb8;
	[tilespmem:$0x1BE00] =	vst v63  }
0x4f: {  	_ = 	snop  }
0x50: {  	[tilespmem:s22], [sflag:$0x2] =	stream.indirect.gather [hbm4b:s4+s21], $0x40, s21, s21, $0xb8;
	[tilespmem:$0x1BE00] =	vst v63  }
0x51: {  	s19 =	simm.s32 $0x100  }
0x52: {  	[tilespmem:s24], [sflag:$0x3] =	stream.indirect.gather [hbm4b:s4+s21], $0x40, s19, s21, $0xb8;
	[tilespmem:$0x1BE00] =	vst v63  }
0x53: {  	s1 =	simm.s32 $0x180  }
0x54: {  	[tilespmem:s26], [sflag:$0x4] =	stream.indirect.gather [hbm4b:s4+s21], $0x40, s1, s21, $0xb8;
	[tilespmem:$0x1BE00] =	vst v63  }
0x55: {  	_ =	swait.ge [sflag:s28], $0x2000  }
0x56: {  	[sflag:s28] =	ssyncset.done $0x0  }
0x57: {  	s19 =	simm.s32 $0x5000;
	[sflag:s28] =	ssyncadd.s32 $0xFFFFE000  }
0x58: {  	[spmem:s2] =	stream.indirect.scatter.add.f32 [tilespmem:s20], [sflag:$0x5], $0x40, s19, s21, $0xb8;
	[tilespmem:$0x1BE00] =	vst v63  }
0x59: {  	_ =	swait.ge [sflag:s18], $0x2000  }
0x5a: {  	[sflag:s18] =	ssyncset.done $0x0  }
0x5b: {  	s1 =	simm.s32 $0x200;
	[sflag:s18] =	ssyncadd.s32 $0xFFFFE000  }
0x5c: {  	[tilespmem:s20], [sflag:$0x1] =	stream.indirect.gather [hbm4b:s4+s21], $0x40, s1, s21, $0xb8;
	[tilespmem:$0x1BE00] =	vst v63  }
0x5d: {  	_ =	swait.ge [sflag:s29], $0x2000  }
0x5e: {  	[sflag:s29] =	ssyncset.done $0x0  }
0x5f: {  	s19 =	simm.s32 $0x5080;
	[sflag:s29] =	ssyncadd.s32 $0xFFFFE000  }
0x60: {  	[spmem:s2] =	stream.indirect.scatter.add.f32 [tilespmem:s22], [sflag:$0x5], $0x40, s19, s21, $0xb8;
	[tilespmem:$0x1BE00] =	vst v63  }
0x61: {  	_ =	swait.ge [sflag:s18], $0x2000  }
0x62: {  	[sflag:s18] =	ssyncset.done $0x0  }
0x63: {  	s1 =	simm.s32 $0x280;
	[sflag:s18] =	ssyncadd.s32 $0xFFFFE000  }
0x64: {  	[tilespmem:s22], [sflag:$0x2] =	stream.indirect.gather [hbm4b:s4+s21], $0x40, s1, s21, $0xb8;
	[tilespmem:$0x1BE00] =	vst v63  }
0x65: {  	_ =	swait.ge [sflag:s30], $0x2000  }
0x66: {  	[sflag:s30] =	ssyncset.done $0x0  }
0x67: {  	s19 =	simm.s32 $0x5100;
	[sflag:s30] =	ssyncadd.s32 $0xFFFFE000  }
0x68: {  	[spmem:s2] =	stream.indirect.scatter.add.f32 [tilespmem:s24], [sflag:$0x5], $0x40, s19, s21, $0xb8;
	[tilespmem:$0x1BE00] =	vst v63  }
0x69: {  	_ =	swait.ge [sflag:s18], $0x2000  }
0x6a: {  	[sflag:s18] =	ssyncset.done $0x0  }
0x6b: {  	s1 =	simm.s32 $0x300;
	[sflag:s18] =	ssyncadd.s32 $0xFFFFE000  }
0x6c: {  	[tilespmem:s24], [sflag:$0x3] =	stream.indirect.gather [hbm4b:s4+s21], $0x40, s1, s21, $0xb8;
	[tilespmem:$0x1BE00] =	vst v63  }
0x6d: {  	_ =	swait.ge [sflag:s31], $0x2000  }
0x6e: {  	[sflag:s31] =	ssyncset.done $0x0  }
0x6f: {  	s19 =	simm.s32 $0x5180;
	[sflag:s31] =	ssyncadd.s32 $0xFFFFE000  }
0x70: {  	[spmem:s2] =	stream.indirect.scatter.add.f32 [tilespmem:s26], [sflag:$0x5], $0x40, s19, s21, $0xb8;
	[tilespmem:$0x1BE00] =	vst v63  }
0x71: {  	_ =	swait.ge [sflag:s18], $0x2000  }
0x72: {  	[sflag:s18] =	ssyncset.done $0x0  }
0x73: {  	s0 =	simm.s32 $0x800;
	s1 =	simm.s32 $0x380;
	[sflag:s18] =	ssyncadd.s32 $0xFFFFE000  }
.LBB2_6:
0x74: {  	[tilespmem:s26], [sflag:$0x4] =	stream.indirect.gather [hbm4b:s4+s21], $0x40, s1, s21, $0xb8;
	[tilespmem:$0x1BE00] =	vst v63  }
0x75: {  	s1 =	smov.u32 s0  }
0x76: {  	p0 =	sne.s32 s0, $0x13000;
	s0 =	sadd.s32 $0x800, s0;
	_ =	swait.ge [sflag:s28], $0x2000  }
0x77: {  	s1 =	sshra.s32 s1, $0x2;
	[sflag:s28] =	ssyncset.done $0x0  }
0x78: {  	s19 =	sadd.s32 $0x5000, s1;
	[sflag:s28] =	ssyncadd.s32 $0xFFFFE000  }
0x79: {  	[spmem:s2] =	stream.indirect.scatter.add.f32 [tilespmem:s20], [sflag:$0x5], $0x40, s19, s21, $0xb8;
	[tilespmem:$0x1BE00] =	vst v63  }
0x7a: {  	_ =	swait.ge [sflag:s18], $0x2000  }
0x7b: {  	[sflag:s18] =	ssyncset.done $0x0  }
0x7c: {  	s19 =	sadd.s32 $0x200, s1;
	[sflag:s18] =	ssyncadd.s32 $0xFFFFE000  }
0x7d: {  	[tilespmem:s20], [sflag:$0x1] =	stream.indirect.gather [hbm4b:s4+s21], $0x40, s19, s21, $0xb8;
	[tilespmem:$0x1BE00] =	vst v63  }
0x7e: {  	_ =	swait.ge [sflag:s29], $0x2000  }
0x7f: {  	[sflag:s29] =	ssyncset.done $0x0  }
0x80: {  	s19 =	sadd.s32 $0x5080, s1;
	[sflag:s29] =	ssyncadd.s32 $0xFFFFE000  }
0x81: {  	[spmem:s2] =	stream.indirect.scatter.add.f32 [tilespmem:s22], [sflag:$0x5], $0x40, s19, s21, $0xb8;
	[tilespmem:$0x1BE00] =	vst v63  }
0x82: {  	_ =	swait.ge [sflag:s18], $0x2000  }
0x83: {  	[sflag:s18] =	ssyncset.done $0x0  }
0x84: {  	s19 =	sadd.s32 $0x280, s1;
	[sflag:s18] =	ssyncadd.s32 $0xFFFFE000  }
0x85: {  	[tilespmem:s22], [sflag:$0x2] =	stream.indirect.gather [hbm4b:s4+s21], $0x40, s19, s21, $0xb8;
	[tilespmem:$0x1BE00] =	vst v63  }
0x86: {  	_ =	swait.ge [sflag:s30], $0x2000  }
0x87: {  	[sflag:s30] =	ssyncset.done $0x0  }
0x88: {  	s19 =	sadd.s32 $0x5100, s1;
	[sflag:s30] =	ssyncadd.s32 $0xFFFFE000  }
0x89: {  	[spmem:s2] =	stream.indirect.scatter.add.f32 [tilespmem:s24], [sflag:$0x5], $0x40, s19, s21, $0xb8;
	[tilespmem:$0x1BE00] =	vst v63  }
0x8a: {  	_ =	swait.ge [sflag:s18], $0x2000  }
0x8b: {  	[sflag:s18] =	ssyncset.done $0x0  }
0x8c: {  	s19 =	sadd.s32 $0x300, s1;
	[sflag:s18] =	ssyncadd.s32 $0xFFFFE000  }
0x8d: {  	[tilespmem:s24], [sflag:$0x3] =	stream.indirect.gather [hbm4b:s4+s21], $0x40, s19, s21, $0xb8;
	[tilespmem:$0x1BE00] =	vst v63  }
0x8e: {  	_ =	swait.ge [sflag:s31], $0x2000  }
0x8f: {  	[sflag:s31] =	ssyncset.done $0x0  }
.Ltmp2:
0x90: {  	s19 =	sadd.s32 $0x5180, s1;
	[sflag:s31] =	ssyncadd.s32 $0xFFFFE000;
	(pc) =	sbr.rel @p0 .LBB2_6-.Ltmp2, $4  }
0x91: {  	[spmem:s2] =	stream.indirect.scatter.add.f32 [tilespmem:s26], [sflag:$0x5], $0x40, s19, s21, $0xb8;
	[tilespmem:$0x1BE00] =	vst v63  }
0x92: {  	_ =	swait.ge [sflag:s18], $0x2000  }
0x93: {  	[sflag:s18] =	ssyncset.done $0x0  }
0x94: {  	s1 =	sadd.s32 $0x380, s1;
	[sflag:s18] =	ssyncadd.s32 $0xFFFFE000  }
0x95: {  	[tilespmem:s26], [sflag:$0x4] =	stream.indirect.gather [hbm4b:s4+s21], $0x40, s1, s21, $0xb8;
	[tilespmem:$0x1BE00] =	vst v63  }
0x96: {  	_ =	swait.ge [sflag:s28], $0x2000  }
0x97: {  	[sflag:s28] =	ssyncset.done $0x0  }
0x98: {  	s0 =	simm.s32 $0x9E00;
	[sflag:s28] =	ssyncadd.s32 $0xFFFFE000  }
0x99: {  	[spmem:s2] =	stream.indirect.scatter.add.f32 [tilespmem:s20], [sflag:$0x5], $0x40, s0, s21, $0xb8;
	[tilespmem:$0x1BE00] =	vst v63  }
0x9a: {  	_ =	swait.ge [sflag:s18], $0x2000  }
0x9b: {  	[sflag:s18] =	ssyncset.done $0x0  }
0x9c: {  	[sflag:s18] =	ssyncadd.s32 $0xFFFFE000  }
0x9d: {  	_ =	swait.ge [sflag:s29], $0x2000  }
0x9e: {  	[sflag:s29] =	ssyncset.done $0x0  }
0x9f: {  	s1 =	simm.s32 $0x9E80;
	[sflag:s29] =	ssyncadd.s32 $0xFFFFE000  }
0xa0: {  	[spmem:s2] =	stream.indirect.scatter.add.f32 [tilespmem:s22], [sflag:$0x5], $0x40, s1, s21, $0xb8;
	[tilespmem:$0x1BE00] =	vst v63  }
0xa1: {  	_ =	swait.ge [sflag:s18], $0x2000  }
0xa2: {  	[sflag:s18] =	ssyncset.done $0x0  }
0xa3: {  	[sflag:s18] =	ssyncadd.s32 $0xFFFFE000  }
0xa4: {  	_ =	swait.ge [sflag:s30], $0x2000  }
0xa5: {  	[sflag:s30] =	ssyncset.done $0x0  }
0xa6: {  	s19 =	simm.s32 $0x9F00;
	[sflag:s30] =	ssyncadd.s32 $0xFFFFE000  }
0xa7: {  	[spmem:s2] =	stream.indirect.scatter.add.f32 [tilespmem:s24], [sflag:$0x5], $0x40, s19, s21, $0xb8;
	[tilespmem:$0x1BE00] =	vst v63  }
0xa8: {  	_ =	swait.ge [sflag:s18], $0x2000  }
0xa9: {  	[sflag:s18] =	ssyncset.done $0x0  }
0xaa: {  	[sflag:s18] =	ssyncadd.s32 $0xFFFFE000  }
0xab: {  	_ =	swait.ge [sflag:s31], $0x2000  }
0xac: {  	[sflag:s31] =	ssyncset.done $0x0  }
0xad: {  	[sflag:s31] =	ssyncadd.s32 $0xFFFFE000  }
0xae: {  	[spmem:s2] =	stream.indirect.scatter.add.f32 [tilespmem:s26], [sflag:$0x5], $0x40, s23, s21, $0xb8;
	[tilespmem:$0x1BE00] =	vst v63  }
0xaf: {  	_ =	swait.ge [sflag:s18], $0x2000  }
0xb0: {  	[sflag:s18] =	ssyncset.done $0x0  }
0xb1: {  	[sflag:s18] =	ssyncadd.s32 $0xFFFFE000  }
0xb2: {  	[bflag:$0x0] =	sbarrier.arrive $0xFFFF  }
0xb3: {  	[tilespmem:s20], [sflag:$0x5] =	stream.linear.gather [spmem:s6], $0x2000, $0x38;
	[tilespmem:$0x1BE00] =	vst v63  }
0xb4: {  	_ =	swait.ge [sflag:s18], $0x2000  }
0xb5: {  	[sflag:s18] =	ssyncset.done $0x0  }
0xb6: {  	[sflag:s18] =	ssyncadd.s32 $0xFFFFE000  }
0xb7: {  	[hbm4b:s14+s3] =	stream.linear.scatter [tilespmem:s20], [sflag:$0x5], $0x2000, $0x38;
	[tilespmem:$0x1BE00] =	vst v63  }
0xb8: {  	_ =	swait.ge [sflag:s18], $0x2000  }
0xb9: {  	[sflag:s18] =	ssyncset.done $0x0  }
0xba: {  	[sflag:s18] =	ssyncadd.s32 $0xFFFFE000  }
0xbb: {  	[tilespmem:s20], [sflag:$0x5] =	stream.linear.gather [spmem:s11], $0x2000, $0x38;
	[tilespmem:$0x1BE00] =	vst v63  }
0xbc: {  	_ =	swait.ge [sflag:s18], $0x2000  }
0xbd: {  	[sflag:s18] =	ssyncset.done $0x0  }
0xbe: {  	[sflag:s18] =	ssyncadd.s32 $0xFFFFE000  }
0xbf: {  	[hbm4b:s15+s3] =	stream.linear.scatter [tilespmem:s20], [sflag:$0x5], $0x2000, $0x38;
	[tilespmem:$0x1BE00] =	vst v63  }
0xc0: {  	_ =	swait.ge [sflag:s18], $0x2000  }
0xc1: {  	[sflag:s18] =	ssyncset.done $0x0  }
0xc2: {  	[sflag:s18] =	ssyncadd.s32 $0xFFFFE000  }
0xc3: {  	[tilespmem:s20], [sflag:$0x5] =	stream.linear.gather [spmem:s12], $0x2000, $0x38;
	[tilespmem:$0x1BE00] =	vst v63  }
0xc4: {  	_ =	swait.ge [sflag:s18], $0x2000  }
0xc5: {  	[sflag:s18] =	ssyncset.done $0x0  }
0xc6: {  	[sflag:s18] =	ssyncadd.s32 $0xFFFFE000  }
0xc7: {  	[hbm4b:s16+s3] =	stream.linear.scatter [tilespmem:s20], [sflag:$0x5], $0x2000, $0x38;
	[tilespmem:$0x1BE00] =	vst v63  }
0xc8: {  	_ =	swait.ge [sflag:s18], $0x2000  }
0xc9: {  	[sflag:s18] =	ssyncset.done $0x0  }
0xca: {  	[sflag:s18] =	ssyncadd.s32 $0xFFFFE000  }
0xcb: {  	[tilespmem:s20], [sflag:$0x5] =	stream.linear.gather [spmem:s13], $0x2000, $0x38;
	[tilespmem:$0x1BE00] =	vst v63  }
0xcc: {  	_ =	swait.ge [sflag:s18], $0x2000  }
0xcd: {  	[sflag:s18] =	ssyncset.done $0x0  }
0xce: {  	[sflag:s18] =	ssyncadd.s32 $0xFFFFE000  }
0xcf: {  	[hbm4b:s17+s3] =	stream.linear.scatter [tilespmem:s20], [sflag:$0x5], $0x2000, $0x38;
	[tilespmem:$0x1BE00] =	vst v63  }
0xd0: {  	_ =	swait.ge [sflag:s18], $0x2000  }
0xd1: {  	[sflag:s18] =	ssyncset.done $0x0  }
0xd2: {  	[sflag:s18] =	ssyncadd.s32 $0xFFFFE000  }
0xd3: {  	[tilespmem:s20], [sflag:$0x5] =	stream.linear.gather [spmem:s8], $0x1E00, $0x38;
	[tilespmem:$0x1BE00] =	vst v63  }
0xd4: {  	s25 =	sadd.s32 $0x1, s25;
	_ =	swait.ge [sflag:s18], $0x1E00  }
0xd5: {  	p0 =	sne.s32 s25, s10;
	[sflag:s18] =	ssyncset.done $0x0  }
.Ltmp3:
0xd6: {  	[sflag:s18] =	ssyncadd.s32 $0xFFFFE200;
	(pc) =	sbr.rel @p0 .LBB2_1-.Ltmp3, $4  }
0xd7: {  	[hbm4b:s9+s3] =	stream.linear.scatter [tilespmem:s20], [sflag:$0x5], $0x1E00, $0x38;
	[tilespmem:$0x1BE00] =	vst v63  }
0xd8: {  	_ =	swait.ge [sflag:s18], $0x1E00  }
0xd9: {  	[sflag:s18] =	ssyncset.done $0x0  }
0xda: {  	[sflag:s18] =	ssyncadd.s32 $0xFFFFE200  }
0xdb: {  	_ =	sfence.sel $0x180000  }
0xdc: {  	[bflag:$0x0] =	sbarrier.arrive $0xFFFF  }
0xdd: {  	_ =	strace $0x90000047  }
0xde: {  	s0 =	stileid.u32;
	[bflag:$0x2] =	sbarrier.arrive $0xFFFF  }
0xdf: {  	p0 =	sne.s32 s0, $0x0;
	s0 =	rddreg [dreg:$0x2]  }
0xe0: {  	s0 =	sadd.s32 @!p0 $0x100000, s0  }
0xe1: {  	[sflag:s0] =	ssyncadd.tile.s32 @!p0 $0x1;
	_ =	shalt  }
.Lfunc_end2:
_tile_overlayer_lowered:
.L_overlay_start_2:
0xe2: {  	(tag) =	ssettag $0x2  }
0xe3: {  	s0 =	rddreg [dreg:$0x0];
	s2 =	stileid.u32  }
0xe4: {  	s1 =	rddreg [dreg:$0x1];
	p0 =	sne.s32 s2, $0x0  }
0xe5: {  	s3 =	rddreg [dreg:$0x2];
	[bflag:$0x3] =	sbarrier.arrive $0xFFFF;
	s2 =	simm.s32 @!p0 $0x1C05  }
0xe6: {  	[timem:s3], [sflag:s2] =	dma.local @!p0 [hbm:s0], s1  }
0xe7: {  	s0 =	simm.s32 @!p0 $0x5  }
0xe8: {  	_ =	swait.ge @!p0 [sflag:s0], s1  }
0xe9: {  	s1 =	ssub.s32 @!p0 $0x0, s1;
	[sflag:s0] =	ssyncset.done @!p0 $0x0  }
0xea: {  	[sflag:s0] =	ssyncadd.s32 @!p0 s1  }
0xeb: {  	[bflag:$0x3] =	sbarrier.arrive $0xFFFF  }
0xec: {  	_ =	shalt  }

// kernel: kernel.9.cloned.1.call-start
scs
__scs_entry_jumppad:
0x0: {  	(pc) =	sbr.rel $0x88, $3  }
0x1: {  	(tag) =	ssettag $0x0;
	lr =	simm.s32 $0x1  }
0x2: {  	[smem:$0x3F95] =	sst lr;
	_ =	strace $0xD0000000  }
0x3: {  	_ = 	snop  }
0x4: {  	_ = 	snop  }
0x5: {  	_ = 	snop  }
0x6: {  	_ = 	snop  }
0x7: {  	_ = 	snop  }
__scs_overlays_trampoline_lowered:
0x8: {  	[smem:$0x3FA4] =	sst s0  }
0x9: {  	[smem:$0x3FA5] =	sst s1  }
0xa: {  	[smem:$0x3FA6] =	sst s2  }
0xb: {  	[smem:$0x3FA7] =	sst s3  }
0xc: {  	[smem:$0x3FA8] =	sst s4  }
0xd: {  	[smem:$0x3FA9] =	sst s5  }
0xe: {  	[smem:$0x3FAA] =	sst s6  }
0xf: {  	[smem:$0x3FAB] =	sst s7  }
0x10: {  	[smem:$0x3FAC] =	sst s8  }
0x11: {  	[smem:$0x3FAD] =	sst s9;
	s0 =	simm.s32 @!p0 $0x0  }
0x12: {  	s1 =	sld [smem:$0x3F93];
	s0 =	simm.s32 @p0 $0x1  }
0x13: {  	[smem:$0x3FAE] =	sst s0;
	s0 =	simm.s32 @!p1 $0x0  }
0x14: {  	s2 =	sld [smem:$0x3F92];
	s0 =	simm.s32 @p1 $0x1  }
0x15: {  	[smem:$0x3FAF] =	sst s0;
	s0 =	simm.s32 @!p2 $0x0  }
0x16: {  	s3 =	sld [smem:$0x3FDB];
	s0 =	simm.s32 @p2 $0x1  }
0x17: {  	s4 =	simm.s32 $0x1BF5;
	[smem:$0x3FB1] =	sst s0  }
0x18: {  	s0 =	sld [smem:$0x3F94];
	_ =	swait.ge [sflag:s4], $0x0  }
0x19: {  	s7 =	sld [smem:$0x3F95]  }
0x1a: {  	s8 =	sadd.s32 $0xFFFFE003, lr  }
0x1b: {  	s9 =	sadd.s32 $0xFFFFFEF7, lr;
	s5 =	simm.s32 $0xFFFFFFFF;
	p2 =	slt.u32 s8, $0xFFFFF086  }
0x1c: {  	p1 =	slt.u32 s9, $0xF7A;
	s5 =	simm.s32 @!p2 $0x0  }
0x1d: {  	s5 =	simm.s32 @p1 $0x1;
	p0 =	seq.s32 s7, s2  }
0x1e: {  	s7 =	smul.u32 @!p0 $0xF7A, s2;
	p2 =	seq.s32 @!p0 s5, $0x0  }
0x1f: {  	s9 =	smul.u32 $0xF7A, s1;
	s8 =	simm.s32 @!p0 $0x1BF5;
	p2 =	por !p2, p0  }
0x20: {  	[sflag:s8] =	ssyncset.s32 @!p0 $0xFFFFF086;
	s6 =	sadd.s32 @!p0 s3, s7;
	s7 =	simm.s32 @!p0 $0x108  }
0x21: {  	s3 =	sadd.s32 s3, s9;
	s6 =	sadd.s32 @!p0 $0x88, s6;
	s7 =	simm.s32 @p2 $0x1082  }
0x22: {  	[simem:s7], [sflag:s8] =	dma.local @!p0 [hbm:s6], $0xF7A  }
0x23: {  	s9 =	sor.u32 $0xD0000000, s2;
	s6 =	simm.s32 $0x108;
	_ =	swait.ge @!p0 [sflag:s8], $0x0  }
0x24: {  	s3 =	sadd.s32 $0x88, s3;
	s6 =	simm.s32 @!p1 $0x1082;
	[sflag:s4] =	ssyncset.s32 $0xFFFFF086  }
0x25: {  	[simem:s6], [sflag:s4] =	dma.local [hbm:s3], $0xF7A  }
0x26: {  	[smem:$0x3F95] =	sst s1;
	(tag) =	ssettag s2;
	_ =	strace s9  }
0x27: {  	s1 =	sld [smem:$0x3FA5]  }
0x28: {  	s2 =	sld [smem:$0x3FA6]  }
0x29: {  	s4 =	sld [smem:$0x3FA8]  }
0x2a: {  	p0 =	seq.s32 s5, $0x0;
	s5 =	sld [smem:$0x3FA9]  }
0x2b: {  	s6 =	sld [smem:$0x3FAA]  }
0x2c: {  	s7 =	sld [smem:$0x3FAB]  }
0x2d: {  	s3 =	simm.s32 $0x108;
	s8 =	sld [smem:$0x3FAC]  }
0x2e: {  	s3 =	simm.s32 @!p0 $0x1082;
	s9 =	sld [smem:$0x3FAD]  }
0x2f: {  	lr =	sadd.s32 s0, s3;
	s0 =	sld [smem:$0x3FA4]  }
0x30: {  	s3 =	sld [smem:$0x3FA7]  }
0x31: {  	[smem:$0x3FB0] =	sst s10  }
0x32: {  	s10 =	sld [smem:$0x3FAE];
	_ =	sdelay $0x3  }
0x33: {  	p0 =	seq.s32 s10, $0x1;
	s10 =	sld [smem:$0x3FB0];
	_ =	sdelay $0x3  }
0x34: {  	[smem:$0x3FB0] =	sst s10  }
0x35: {  	s10 =	sld [smem:$0x3FAF];
	_ =	sdelay $0x3  }
0x36: {  	p1 =	seq.s32 s10, $0x1;
	s10 =	sld [smem:$0x3FB0];
	_ =	sdelay $0x3  }
0x37: {  	[smem:$0x3FB0] =	sst s10  }
0x38: {  	s10 =	sld [smem:$0x3FB1]  }
0x39: {  	_ = 	snop;
	(pc) =	sbr.ind lr, $3  }
0x3a: {  	_ = 	snop  }
0x3b: {  	_ = 	snop  }
0x3c: {  	p2 =	seq.s32 s10, $0x1;
	s10 =	sld [smem:$0x3FB0]  }
0x3d: {  	_ =	shalt  }
0x3e: {  	_ =	shalt  }
0x3f: {  	_ =	shalt  }
0x40: {  	_ =	shalt  }
0x41: {  	_ =	shalt  }
0x42: {  	_ =	shalt  }
0x43: {  	_ =	shalt  }
0x44: {  	_ =	shalt  }
0x45: {  	_ =	shalt  }
0x46: {  	_ =	shalt  }
0x47: {  	_ =	shalt  }
0x48: {  	_ =	shalt  }
0x49: {  	_ =	shalt  }
0x4a: {  	_ =	shalt  }
0x4b: {  	_ =	shalt  }
0x4c: {  	_ =	shalt  }
0x4d: {  	_ =	shalt  }
0x4e: {  	_ =	shalt  }
0x4f: {  	_ =	shalt  }
0x50: {  	_ =	shalt  }
0x51: {  	_ =	shalt  }
0x52: {  	_ =	shalt  }
0x53: {  	_ =	shalt  }
0x54: {  	_ =	shalt  }
0x55: {  	_ =	shalt  }
0x56: {  	_ =	shalt  }
0x57: {  	_ =	shalt  }
0x58: {  	_ =	shalt  }
0x59: {  	_ =	shalt  }
0x5a: {  	_ =	shalt  }
0x5b: {  	_ =	shalt  }
0x5c: {  	_ =	shalt  }
0x5d: {  	_ =	shalt  }
0x5e: {  	_ =	shalt  }
0x5f: {  	_ =	shalt  }
0x60: {  	_ =	shalt  }
0x61: {  	_ =	shalt  }
0x62: {  	_ =	shalt  }
0x63: {  	_ =	shalt  }
0x64: {  	_ =	shalt  }
0x65: {  	_ =	shalt  }
0x66: {  	_ =	shalt  }
0x67: {  	_ =	shalt  }
0x68: {  	_ =	shalt  }
0x69: {  	_ =	shalt  }
0x6a: {  	_ =	shalt  }
0x6b: {  	_ =	shalt  }
0x6c: {  	_ =	shalt  }
0x6d: {  	_ =	shalt  }
0x6e: {  	_ =	shalt  }
0x6f: {  	_ =	shalt  }
0x70: {  	_ =	shalt  }
0x71: {  	_ =	shalt  }
0x72: {  	_ =	shalt  }
0x73: {  	_ =	shalt  }
0x74: {  	_ =	shalt  }
0x75: {  	_ =	shalt  }
0x76: {  	_ =	shalt  }
0x77: {  	_ =	shalt  }
0x78: {  	_ =	shalt  }
0x79: {  	_ =	shalt  }
0x7a: {  	_ =	shalt  }
0x7b: {  	_ =	shalt  }
0x7c: {  	_ =	shalt  }
0x7d: {  	_ =	shalt  }
0x7e: {  	_ =	shalt  }
0x7f: {  	_ =	shalt  }
0x80: {  	_ =	shalt  }
0x81: {  	_ =	shalt  }
0x82: {  	_ =	shalt  }
0x83: {  	_ =	shalt  }
0x84: {  	_ =	shalt  }
0x85: {  	_ =	shalt  }
0x86: {  	_ =	shalt  }
0x87: {  	_ =	shalt  }
.Lfunc_end0:
.L_simem_size_0:
called_computation.1_lowered:
.L_overlay_start_0:
0x88: {  	s2 =	sld [smem:$0x3FD9]  }
0x89: {  	s3 =	sld [smem:$0x3FFE];
	_ =	sdelay $0x1  }
0x8a: {  	s1 =	srdreg.scid  }
0x8b: {  	s0 =	sand.u32 $0x1, s1  }
0x8c: {  	s16 =	sshll.u32 s0, $0xA;
	s2 =	sadd.s32 s3, s2  }
0x8d: {  	s2 =	sadd.s32 s2, s16  }
0x8e: {  	[smem:$0x3FBC] =	sst s2  }
0x8f: {  	_ = 	snop  }
0x90: {  	(tm) =	ssettm $0x1  }
0x91: {  	s17 =	sld [smem:$0x3FFB];
	_ =	sdelay $0x3  }
0x92: {  	_ =	strace s17  }
0x93: {  	s2 =	sld [smem:$0x3FFC];
	_ =	sdelay $0x3  }
0x94: {  	_ =	strace s2  }
0x95: {  	s2 =	sld [smem:$0x3FFD];
	_ =	sdelay $0x3  }
0x96: {  	_ =	strace s2  }
0x97: {  	_ =	strace $0x8FFFFFFF  }
0x98: {  	s18 =	sld [smem:$0x3FDB];
	_ =	sdelay $0x1  }
0x99: {  	s19 =	simm.s32 $_scs_section_size  }
0x9a: {  	s4 =	simm.s32 $_size__tile_overlayer_lowered;
	s5 =	simm.s32 $_tile_overlayer_lowered  }
0x9b: {  	s22 =	simm.s32 $0x1BFF;
	s21 =	sshll.u32 s5, $0x1;
	s2 =	sadd.s32 s19, s18  }
0x9c: {  	s6 =	simm.s32 $0x0;
	s20 =	sshll.u32 s4, $0x1;
	s4 =	sadd.s32 s21, s2  }
0x9d: {  	[timem:s6], [sflag:s22] =	dma.local [hbm:s4], s20  }
0x9e: {  	_ =	swait.ge [sflag:s22], s20  }
0x9f: {  	s3 =	ssub.s32 $0x0, s20;
	[sflag:s22] =	ssyncset.done $0x0  }
0xa0: {  	[sflag:s22] =	ssyncadd.s32 s3;
	_ =	sdelay $0x1  }
0xa1: {  	s23 =	simm.s32 $0x1B8B  }
0xa2: {  	_ =	swait.ge [sflag:s23], $0x1  }
0xa3: {  	[sflag:s23] =	ssyncset.done $0x0  }
0xa4: {  	s25 =	simm.s32 $0x1B8E;
	s24 =	sld [smem:$0x3FFE];
	[sflag:s23] =	ssyncadd.s32 $0xFFFFFFFF  }
0xa5: {  	s26 =	simm.s32 $execute0_lowered;
	[smem:$0x3FD2] =	sst s25  }
0xa6: {  	s4 =	sshll.u32 s26, $0x1;
	_ =	strace $0x80000049;
	[dreg:$0x1] =	wrdreg $0xFFFFFFFF  }
0xa7: {  	s28 =	simm.s32 $_size_execute0_lowered;
	s2 =	sadd.s32 s2, s4;
	[dreg:$0x0] =	wrdreg $0x0  }
0xa8: {  	s4 =	sshll.u32 s28, $0x1;
	[dreg:$0x2] =	wrdreg s2  }
0xa9: {  	[dreg:$0x3] =	wrdreg s4  }
0xaa: {  	[dreg:$0x4] =	wrdreg $0xC0  }
0xab: {  	_ =	task [dreg:s6], $0x5FFFF  }
0xac: {  	[dreg:$0x1] =	wrdreg $0xFFFFFFFF  }
0xad: {  	[dreg:$0x0] =	wrdreg $0x60  }
0xae: {  	[dreg:$0x2] =	wrdreg s24  }
0xaf: {  	[dreg:$0x3] =	wrdreg $0x120000  }
0xb0: {  	[dreg:$0x4] =	wrdreg $0x9  }
0xb1: {  	_ =	task.clear_ibuf [dreg:s6], $0x5FFFF;
	_ =	strace $0x90000049  }
0xb2: {  	s29 =	simm.s32 $0x9;
	_ =	strace $0x8000004B  }
0xb3: {  	_ =	swait.ge [sflag:s29], $0x1  }
0xb4: {  	[sflag:s29] =	ssyncadd.s32 $0xFFFFFFFF  }
0xb5: {  	_ =	strace $0x9000004B  }
0xb6: {  	_ =	sfence  }
0xb7: {  	s30 =	sld [smem:$0x0];
	_ =	sdelay $0x2  }
0xb8: {  	s31 =	sshll.u32 s1, $0xD;
	s1 =	sshrl.u32 s1, $0x2  }
0xb9: {  	s3 =	sand.u32 $0x4000, s31;
	s1 =	sadd.s32 s1, s30  }
0xba: {  	s0 =	sor.u32 s3, s0;
	s1 =	sshll.u32 s1, $0x11  }
0xbb: {  	s0 =	sor.u32 s1, s0  }
0xbc: {  	s0 =	sadd.s32 $0x8F2B, s0  }
0xbd: {  	[sflag:s0] =	ssyncadd.remote.s32 $0x1  }
0xbe: {  	_ =	sfence.sel $0xFFFF  }
0xbf: {  	[dreg:$0x0] =	wrdreg $0xFFFFFFFF;
	(pc) =	sbr.abs _section_cstart, $3  }
0xc0: {  	[dreg:$0x1] =	wrdreg $0xFFFFFFFF  }
0xc1: {  	_ =	task.clear_ibuf [dreg:s6], $0x2FFFF;
	_ =	strace $0x9FFFFFFF  }
0xc2: {  	(tm) =	ssettm $0x7FFFFFFF  }
0xc3: {  	_ =	shalt  }
tec
execute0_lowered:
.L_overlay_start_1:
0x0: {  	(tag) =	ssettag $0x1  }
0x1: {  	s0 =	rddreg [dreg:$0x0]  }
0x2: {  	s2 =	rddreg [dreg:$0x1]  }
0x3: {  	s6 =	stileid.u32;
	s4 =	srdreg.scid;
	s3 =	simm.s32 $0x0  }
0x4: {  	s18 =	simm.s32 $0x5;
	s20 =	simm.s32 $0xA000;
	s21 =	simm.s32 $0x80  }
0x5: {  	s22 =	simm.s32 $0xC000;
	s26 =	simm.s32 $0x10000;
	s28 =	simm.s32 $0x1  }
0x6: {  	s29 =	simm.s32 $0x2;
	s30 =	simm.s32 $0x3;
	s1 =	smul.u32 $0xA00, s6  }
0x7: {  	s31 =	simm.s32 $0x4;
	s8 =	sand.u32 $0x1, s4;
	s23 =	smul.u32 $0x278, s6  }
0x8: {  	[smem:$0x7FF] =	sst s3;
	s6 =	smul.u32 $0x27800, s6;
	s4 =	sadd.s32 $0xA00, s0  }
0x9: {  	s5 =	smul.u32 $0x2780, s8;
	_ =	strace $0x8000004A;
	s7 =	ssub.s32 $0x2, s8  }
0xa: {  	s25 =	smul.u32 $0x2710, s8;
	s1 =	sadd.s32 s1, s0;
	s24 =	sshrl.u32 s7, $0x1  }
0xb: {  	s6 =	sshrl.u32 s6, $0x2;
	s5 =	sadd.s32 s23, s5;
	s10 =	ssub.s32 s7, s24  }
0xc: {  	s6 =	sadd.s32 s6, s2;
	s7 =	sadd.s32 $0x27C00, s1;
	s24 =	simm.s32 $0xE000  }
0xd: {  	v0 =	vmov s25;
	s23 =	simm.s32 $0x9F80;
	s25 =	simm.s32 $0x0;
	s5 =	sshll.u32 s5, $0x3  }
0xe: {  	s8 =	sadd.s32 $0x8000, s6;
	s10 =	smax.u32 s10, $0x1;
	s11 =	sadd.s32 $0x2000, s6  }
0xf: {  	s12 =	sadd.s32 $0x4000, s6;
	s13 =	sadd.s32 $0x6000, s6;
	s0 =	sadd.s32 s5, s0  }
0x10: {  	s5 =	sadd.s32 $0x31C00, s1;
	s9 =	sadd.s32 $0x3CC00, s0;
	s14 =	sadd.s32 $0x3BC00, s0  }
0x11: {  	v1 =	vimm.f32 $0.0e+00;
	s15 =	sadd.s32 $0x3C000, s0;
	s16 =	sadd.s32 $0x3C400, s0;
	s17 =	sadd.s32 $0x3C800, s0  }
.LBB2_1:
0x12: {  	[tilespmem:s3], [sflag:$0x5] =	stream.linear.gather [hbm4b:s5+s3], $0x5000, $0x38;
	[tilespmem:$0x1BE00] =	vst v63  }
0x13: {  	_ =	swait.ge [sflag:s18], $0x5000  }
0x14: {  	[sflag:s18] =	ssyncset.done $0x0  }
0x15: {  	s0 =	simm.s32 $0x5000;
	[sflag:s18] =	ssyncadd.s32 $0xFFFFB000  }
0x16: {  	[tilespmem:s0], [sflag:$0x5] =	stream.linear.gather [hbm4b:s7+s3], $0x5000, $0x38;
	[tilespmem:$0x1BE00] =	vst v63  }
0x17: {  	_ =	swait.ge [sflag:s18], $0x5000  }
0x18: {  	[sflag:s18] =	ssyncset.done $0x0  }
0x19: {  	s0 =	simm.s32 $0x0;
	[sflag:s18] =	ssyncadd.s32 $0xFFFFB000  }
0x1a: {  	v4 =	vld [tilespmem:s0+$0x0]  }
0x1b: {  	v6 =	vld [tilespmem:s0+$0x10]  }
0x1c: {  	v5 =	vld [tilespmem:s0+$0x20]  }
0x1d: {  	v3 =	vld [tilespmem:s0+$0x30]  }
0x1e: {  	v2 =	vld [tilespmem:s0+$0x40]  }
0x1f: {  	v7 =	vadd.s32 v0, v4;
	v4 =	vld [tilespmem:s0+$0x50]  }
0x20: {  	s1 =	simm.s32 $0x200;
	[tilespmem:s0+$0x0] =	vst v7;
	v7 =	vadd.s32 v0, v6;
	v6 =	vld [tilespmem:s0+$0x60]  }
.LBB2_2:
0x21: {  	s19 =	sshra.s32 s1, $0x2;
	p0 =	sne.s32 s1, $0x13E00;
	[tilespmem:s0+$0x10] =	vst v7;
	v5 =	vadd.s32 v0, v5;
	v7 =	vld [tilespmem:s0+$0x70]  }
0x22: {  	v8 =	vld [tilespmem:s19+$0x0];
	[tilespmem:s0+$0x20] =	vst v5;
	v3 =	vadd.s32 v0, v3  }
0x23: {  	v9 =	vld [tilespmem:s19+$0x10];
	[tilespmem:s0+$0x30] =	vst v3;
	v2 =	vadd.s32 v0, v2  }
.Ltmp0:
0x24: {  	v5 =	vld [tilespmem:s19+$0x20];
	[tilespmem:s0+$0x40] =	vst v2;
	v2 =	vadd.s32 v0, v4;
	(pc) =	sbr.rel @p0 .LBB2_2-.Ltmp0, $4  }
0x25: {  	v3 =	vld [tilespmem:s19+$0x30];
	[tilespmem:s0+$0x50] =	vst v2;
	v4 =	vadd.s32 v0, v6  }
0x26: {  	v2 =	vld [tilespmem:s19+$0x40];
	[tilespmem:s0+$0x60] =	vst v4;
	v6 =	vadd.s32 v0, v7  }
0x27: {  	v7 =	vadd.s32 v0, v8;
	v4 =	vld [tilespmem:s19+$0x50];
	[tilespmem:s0+$0x70] =	vst v6;
	s0 =	smov.u32 s19  }
0x28: {  	s1 =	sadd.s32 $0x200, s1;
	[tilespmem:s0+$0x0] =	vst v7;
	v7 =	vadd.s32 v0, v9;
	v6 =	vld [tilespmem:s0+$0x60]  }
0x29: {  	[tilespmem:s0+$0x10] =	vst v7;
	v5 =	vadd.s32 v0, v5;
	v63 =	vld [tilespmem:s0+$0x70]  }
0x2a: {  	[tilespmem:s0+$0x20] =	vst v5;
	v3 =	vadd.s32 v0, v3  }
0x2b: {  	[tilespmem:s0+$0x30] =	vst v3;
	v2 =	vadd.s32 v0, v2  }
0x2c: {  	[tilespmem:s0+$0x40] =	vst v2;
	v2 =	vadd.s32 v0, v4  }
0x2d: {  	[tilespmem:s0+$0x50] =	vst v2;
	v2 =	vadd.s32 v0, v6  }
0x2e: {  	[tilespmem:s0+$0x60] =	vst v2;
	v2 =	vadd.s32 v0, v63  }
0x2f: {  	s1 =	simm.s32 $0x100;
	[tilespmem:s0+$0x70] =	vst v2;
	s0 =	simm.s32 $0x0  }
.LBB2_4:
0x30: {  	p0 =	sne.s32 s1, $0x7F00;
	[tilespmem:s0+$0xA030] =	vst v1;
	s19 =	smov.u32 s1;
	s1 =	sadd.s32 $0x100, s1  }
.Ltmp1:
0x31: {  	[tilespmem:s0+$0xA020] =	vst v1;
	(pc) =	sbr.rel @p0 .LBB2_4-.Ltmp1, $3  }
0x32: {  	[tilespmem:s0+$0xA000] =	vst v1  }
0x33: {  	[tilespmem:s0+$0xA010] =	vst v1;
	_ =	sdelay $0x1  }
0x34: {  	s0 =	sshra.s32 s19, $0x2  }
0x35: {  	[tilespmem:s0+$0xA030] =	vst v1  }
0x36: {  	[tilespmem:s0+$0xA020] =	vst v1  }
0x37: {  	[tilespmem:s0+$0xA000] =	vst v1  }
0x38: {  	[tilespmem:s0+$0xA010] =	vst v1  }
0x39: {  	[spmem:s6] =	stream.linear.scatter [tilespmem:s20], [sflag:$0x5], $0x2000, $0x38;
	[tilespmem:$0x1BE00] =	vst v63  }
0x3a: {  	_ =	swait.ge [sflag:s18], $0x2000  }
0x3b: {  	[sflag:s18] =	ssyncset.done $0x0  }
0x3c: {  	[sflag:s18] =	ssyncadd.s32 $0xFFFFE000  }
0x3d: {  	[spmem:s11] =	stream.linear.scatter [tilespmem:s20], [sflag:$0x5], $0x2000, $0x38;
	[tilespmem:$0x1BE00] =	vst v63  }
0x3e: {  	_ =	swait.ge [sflag:s18], $0x2000  }
0x3f: {  	[sflag:s18] =	ssyncset.done $0x0  }
0x40: {  	[sflag:s18] =	ssyncadd.s32 $0xFFFFE000  }
0x41: {  	[spmem:s12] =	stream.linear.scatter [tilespmem:s20], [sflag:$0x5], $0x2000, $0x38;
	[tilespmem:$0x1BE00] =	vst v63  }
0x42: {  	_ =	swait.ge [sflag:s18], $0x2000  }
0x43: {  	[sflag:s18] =	ssyncset.done $0x0  }
0x44: {  	[sflag:s18] =	ssyncadd.s32 $0xFFFFE000  }
0x45: {  	[spmem:s13] =	stream.linear.scatter [tilespmem:s20], [sflag:$0x5], $0x2000, $0x38;
	[tilespmem:$0x1BE00] =	vst v63  }
0x46: {  	_ =	swait.ge [sflag:s18], $0x2000  }
0x47: {  	[sflag:s18] =	ssyncset.done $0x0  }
0x48: {  	[sflag:s18] =	ssyncadd.s32 $0xFFFFE000  }
0x49: {  	[spmem:s8] =	stream.linear.scatter [tilespmem:s20], [sflag:$0x5], $0x1E00, $0x38;
	[tilespmem:$0x1BE00] =	vst v63  }
0x4a: {  	_ =	swait.ge [sflag:s18], $0x1E00  }
0x4b: {  	[sflag:s18] =	ssyncset.done $0x0  }
0x4c: {  	[sflag:s18] =	ssyncadd.s32 $0xFFFFE200  }
0x4d: {  	s1 =	simm.s32 $0x0;
	[bflag:$0x0] =	sbarrier.arrive $0xFFFF  }
0x4e: {  	[tilespmem:s20], [sflag:$0x1] =	stream.indirect.gather [hbm4b:s4+s21], $0x40, s1, s21, $0xb8;
	[tilespmem:$0x1BE00] =	vst v63  }
0x4f: {  	_ = 	snop  }
0x50: {  	[tilespmem:s22], [sflag:$0x2] =	stream.indirect.gather [hbm4b:s4+s21], $0x40, s21, s21, $0xb8;
	[tilespmem:$0x1BE00] =	vst v63  }
0x51: {  	s19 =	simm.s32 $0x100  }
0x52: {  	[tilespmem:s24], [sflag:$0x3] =	stream.indirect.gather [hbm4b:s4+s21], $0x40, s19, s21, $0xb8;
	[tilespmem:$0x1BE00] =	vst v63  }
0x53: {  	s1 =	simm.s32 $0x180  }
0x54: {  	[tilespmem:s26], [sflag:$0x4] =	stream.indirect.gather [hbm4b:s4+s21], $0x40, s1, s21, $0xb8;
	[tilespmem:$0x1BE00] =	vst v63  }
0x55: {  	_ =	swait.ge [sflag:s28], $0x2000  }
0x56: {  	[sflag:s28] =	ssyncset.done $0x0  }
0x57: {  	s19 =	simm.s32 $0x5000;
	[sflag:s28] =	ssyncadd.s32 $0xFFFFE000  }
0x58: {  	[spmem:s2] =	stream.indirect.scatter.add.f32 [tilespmem:s20], [sflag:$0x5], $0x40, s19, s21, $0xb8;
	[tilespmem:$0x1BE00] =	vst v63  }
0x59: {  	_ =	swait.ge [sflag:s18], $0x2000  }
0x5a: {  	[sflag:s18] =	ssyncset.done $0x0  }
0x5b: {  	s1 =	simm.s32 $0x200;
	[sflag:s18] =	ssyncadd.s32 $0xFFFFE000  }
0x5c: {  	[tilespmem:s20], [sflag:$0x1] =	stream.indirect.gather [hbm4b:s4+s21], $0x40, s1, s21, $0xb8;
	[tilespmem:$0x1BE00] =	vst v63  }
0x5d: {  	_ =	swait.ge [sflag:s29], $0x2000  }
0x5e: {  	[sflag:s29] =	ssyncset.done $0x0  }
0x5f: {  	s19 =	simm.s32 $0x5080;
	[sflag:s29] =	ssyncadd.s32 $0xFFFFE000  }
0x60: {  	[spmem:s2] =	stream.indirect.scatter.add.f32 [tilespmem:s22], [sflag:$0x5], $0x40, s19, s21, $0xb8;
	[tilespmem:$0x1BE00] =	vst v63  }
0x61: {  	_ =	swait.ge [sflag:s18], $0x2000  }
0x62: {  	[sflag:s18] =	ssyncset.done $0x0  }
0x63: {  	s1 =	simm.s32 $0x280;
	[sflag:s18] =	ssyncadd.s32 $0xFFFFE000  }
0x64: {  	[tilespmem:s22], [sflag:$0x2] =	stream.indirect.gather [hbm4b:s4+s21], $0x40, s1, s21, $0xb8;
	[tilespmem:$0x1BE00] =	vst v63  }
0x65: {  	_ =	swait.ge [sflag:s30], $0x2000  }
0x66: {  	[sflag:s30] =	ssyncset.done $0x0  }
0x67: {  	s19 =	simm.s32 $0x5100;
	[sflag:s30] =	ssyncadd.s32 $0xFFFFE000  }
0x68: {  	[spmem:s2] =	stream.indirect.scatter.add.f32 [tilespmem:s24], [sflag:$0x5], $0x40, s19, s21, $0xb8;
	[tilespmem:$0x1BE00] =	vst v63  }
0x69: {  	_ =	swait.ge [sflag:s18], $0x2000  }
0x6a: {  	[sflag:s18] =	ssyncset.done $0x0  }
0x6b: {  	s1 =	simm.s32 $0x300;
	[sflag:s18] =	ssyncadd.s32 $0xFFFFE000  }
0x6c: {  	[tilespmem:s24], [sflag:$0x3] =	stream.indirect.gather [hbm4b:s4+s21], $0x40, s1, s21, $0xb8;
	[tilespmem:$0x1BE00] =	vst v63  }
0x6d: {  	_ =	swait.ge [sflag:s31], $0x2000  }
0x6e: {  	[sflag:s31] =	ssyncset.done $0x0  }
0x6f: {  	s19 =	simm.s32 $0x5180;
	[sflag:s31] =	ssyncadd.s32 $0xFFFFE000  }
0x70: {  	[spmem:s2] =	stream.indirect.scatter.add.f32 [tilespmem:s26], [sflag:$0x5], $0x40, s19, s21, $0xb8;
	[tilespmem:$0x1BE00] =	vst v63  }
0x71: {  	_ =	swait.ge [sflag:s18], $0x2000  }
0x72: {  	[sflag:s18] =	ssyncset.done $0x0  }
0x73: {  	s0 =	simm.s32 $0x800;
	s1 =	simm.s32 $0x380;
	[sflag:s18] =	ssyncadd.s32 $0xFFFFE000  }
.LBB2_6:
0x74: {  	[tilespmem:s26], [sflag:$0x4] =	stream.indirect.gather [hbm4b:s4+s21], $0x40, s1, s21, $0xb8;
	[tilespmem:$0x1BE00] =	vst v63  }
0x75: {  	s1 =	smov.u32 s0  }
0x76: {  	p0 =	sne.s32 s0, $0x13000;
	s0 =	sadd.s32 $0x800, s0;
	_ =	swait.ge [sflag:s28], $0x2000  }
0x77: {  	s1 =	sshra.s32 s1, $0x2;
	[sflag:s28] =	ssyncset.done $0x0  }
0x78: {  	s19 =	sadd.s32 $0x5000, s1;
	[sflag:s28] =	ssyncadd.s32 $0xFFFFE000  }
0x79: {  	[spmem:s2] =	stream.indirect.scatter.add.f32 [tilespmem:s20], [sflag:$0x5], $0x40, s19, s21, $0xb8;
	[tilespmem:$0x1BE00] =	vst v63  }
0x7a: {  	_ =	swait.ge [sflag:s18], $0x2000  }
0x7b: {  	[sflag:s18] =	ssyncset.done $0x0  }
0x7c: {  	s19 =	sadd.s32 $0x200, s1;
	[sflag:s18] =	ssyncadd.s32 $0xFFFFE000  }
0x7d: {  	[tilespmem:s20], [sflag:$0x1] =	stream.indirect.gather [hbm4b:s4+s21], $0x40, s19, s21, $0xb8;
	[tilespmem:$0x1BE00] =	vst v63  }
0x7e: {  	_ =	swait.ge [sflag:s29], $0x2000  }
0x7f: {  	[sflag:s29] =	ssyncset.done $0x0  }
0x80: {  	s19 =	sadd.s32 $0x5080, s1;
	[sflag:s29] =	ssyncadd.s32 $0xFFFFE000  }
0x81: {  	[spmem:s2] =	stream.indirect.scatter.add.f32 [tilespmem:s22], [sflag:$0x5], $0x40, s19, s21, $0xb8;
	[tilespmem:$0x1BE00] =	vst v63  }
0x82: {  	_ =	swait.ge [sflag:s18], $0x2000  }
0x83: {  	[sflag:s18] =	ssyncset.done $0x0  }
0x84: {  	s19 =	sadd.s32 $0x280, s1;
	[sflag:s18] =	ssyncadd.s32 $0xFFFFE000  }
0x85: {  	[tilespmem:s22], [sflag:$0x2] =	stream.indirect.gather [hbm4b:s4+s21], $0x40, s19, s21, $0xb8;
	[tilespmem:$0x1BE00] =	vst v63  }
0x86: {  	_ =	swait.ge [sflag:s30], $0x2000  }
0x87: {  	[sflag:s30] =	ssyncset.done $0x0  }
0x88: {  	s19 =	sadd.s32 $0x5100, s1;
	[sflag:s30] =	ssyncadd.s32 $0xFFFFE000  }
0x89: {  	[spmem:s2] =	stream.indirect.scatter.add.f32 [tilespmem:s24], [sflag:$0x5], $0x40, s19, s21, $0xb8;
	[tilespmem:$0x1BE00] =	vst v63  }
0x8a: {  	_ =	swait.ge [sflag:s18], $0x2000  }
0x8b: {  	[sflag:s18] =	ssyncset.done $0x0  }
0x8c: {  	s19 =	sadd.s32 $0x300, s1;
	[sflag:s18] =	ssyncadd.s32 $0xFFFFE000  }
0x8d: {  	[tilespmem:s24], [sflag:$0x3] =	stream.indirect.gather [hbm4b:s4+s21], $0x40, s19, s21, $0xb8;
	[tilespmem:$0x1BE00] =	vst v63  }
0x8e: {  	_ =	swait.ge [sflag:s31], $0x2000  }
0x8f: {  	[sflag:s31] =	ssyncset.done $0x0  }
.Ltmp2:
0x90: {  	s19 =	sadd.s32 $0x5180, s1;
	[sflag:s31] =	ssyncadd.s32 $0xFFFFE000;
	(pc) =	sbr.rel @p0 .LBB2_6-.Ltmp2, $4  }
0x91: {  	[spmem:s2] =	stream.indirect.scatter.add.f32 [tilespmem:s26], [sflag:$0x5], $0x40, s19, s21, $0xb8;
	[tilespmem:$0x1BE00] =	vst v63  }
0x92: {  	_ =	swait.ge [sflag:s18], $0x2000  }
0x93: {  	[sflag:s18] =	ssyncset.done $0x0  }
0x94: {  	s1 =	sadd.s32 $0x380, s1;
	[sflag:s18] =	ssyncadd.s32 $0xFFFFE000  }
0x95: {  	[tilespmem:s26], [sflag:$0x4] =	stream.indirect.gather [hbm4b:s4+s21], $0x40, s1, s21, $0xb8;
	[tilespmem:$0x1BE00] =	vst v63  }
0x96: {  	_ =	swait.ge [sflag:s28], $0x2000  }
0x97: {  	[sflag:s28] =	ssyncset.done $0x0  }
0x98: {  	s0 =	simm.s32 $0x9E00;
	[sflag:s28] =	ssyncadd.s32 $0xFFFFE000  }
0x99: {  	[spmem:s2] =	stream.indirect.scatter.add.f32 [tilespmem:s20], [sflag:$0x5], $0x40, s0, s21, $0xb8;
	[tilespmem:$0x1BE00] =	vst v63  }
0x9a: {  	_ =	swait.ge [sflag:s18], $0x2000  }
0x9b: {  	[sflag:s18] =	ssyncset.done $0x0  }
0x9c: {  	[sflag:s18] =	ssyncadd.s32 $0xFFFFE000  }
0x9d: {  	_ =	swait.ge [sflag:s29], $0x2000  }
0x9e: {  	[sflag:s29] =	ssyncset.done $0x0  }
0x9f: {  	s1 =	simm.s32 $0x9E80;
	[sflag:s29] =	ssyncadd.s32 $0xFFFFE000  }
0xa0: {  	[spmem:s2] =	stream.indirect.scatter.add.f32 [tilespmem:s22], [sflag:$0x5], $0x40, s1, s21, $0xb8;
	[tilespmem:$0x1BE00] =	vst v63  }
0xa1: {  	_ =	swait.ge [sflag:s18], $0x2000  }
0xa2: {  	[sflag:s18] =	ssyncset.done $0x0  }
0xa3: {  	[sflag:s18] =	ssyncadd.s32 $0xFFFFE000  }
0xa4: {  	_ =	swait.ge [sflag:s30], $0x2000  }
0xa5: {  	[sflag:s30] =	ssyncset.done $0x0  }
0xa6: {  	s19 =	simm.s32 $0x9F00;
	[sflag:s30] =	ssyncadd.s32 $0xFFFFE000  }
0xa7: {  	[spmem:s2] =	stream.indirect.scatter.add.f32 [tilespmem:s24], [sflag:$0x5], $0x40, s19, s21, $0xb8;
	[tilespmem:$0x1BE00] =	vst v63  }
0xa8: {  	_ =	swait.ge [sflag:s18], $0x2000  }
0xa9: {  	[sflag:s18] =	ssyncset.done $0x0  }
0xaa: {  	[sflag:s18] =	ssyncadd.s32 $0xFFFFE000  }
0xab: {  	_ =	swait.ge [sflag:s31], $0x2000  }
0xac: {  	[sflag:s31] =	ssyncset.done $0x0  }
0xad: {  	[sflag:s31] =	ssyncadd.s32 $0xFFFFE000  }
0xae: {  	[spmem:s2] =	stream.indirect.scatter.add.f32 [tilespmem:s26], [sflag:$0x5], $0x40, s23, s21, $0xb8;
	[tilespmem:$0x1BE00] =	vst v63  }
0xaf: {  	_ =	swait.ge [sflag:s18], $0x2000  }
0xb0: {  	[sflag:s18] =	ssyncset.done $0x0  }
0xb1: {  	[sflag:s18] =	ssyncadd.s32 $0xFFFFE000  }
0xb2: {  	[bflag:$0x0] =	sbarrier.arrive $0xFFFF  }
0xb3: {  	[tilespmem:s20], [sflag:$0x5] =	stream.linear.gather [spmem:s6], $0x2000, $0x38;
	[tilespmem:$0x1BE00] =	vst v63  }
0xb4: {  	_ =	swait.ge [sflag:s18], $0x2000  }
0xb5: {  	[sflag:s18] =	ssyncset.done $0x0  }
0xb6: {  	[sflag:s18] =	ssyncadd.s32 $0xFFFFE000  }
0xb7: {  	[hbm4b:s14+s3] =	stream.linear.scatter [tilespmem:s20], [sflag:$0x5], $0x2000, $0x38;
	[tilespmem:$0x1BE00] =	vst v63  }
0xb8: {  	_ =	swait.ge [sflag:s18], $0x2000  }
0xb9: {  	[sflag:s18] =	ssyncset.done $0x0  }
0xba: {  	[sflag:s18] =	ssyncadd.s32 $0xFFFFE000  }
0xbb: {  	[tilespmem:s20], [sflag:$0x5] =	stream.linear.gather [spmem:s11], $0x2000, $0x38;
	[tilespmem:$0x1BE00] =	vst v63  }
0xbc: {  	_ =	swait.ge [sflag:s18], $0x2000  }
0xbd: {  	[sflag:s18] =	ssyncset.done $0x0  }
0xbe: {  	[sflag:s18] =	ssyncadd.s32 $0xFFFFE000  }
0xbf: {  	[hbm4b:s15+s3] =	stream.linear.scatter [tilespmem:s20], [sflag:$0x5], $0x2000, $0x38;
	[tilespmem:$0x1BE00] =	vst v63  }
0xc0: {  	_ =	swait.ge [sflag:s18], $0x2000  }
0xc1: {  	[sflag:s18] =	ssyncset.done $0x0  }
0xc2: {  	[sflag:s18] =	ssyncadd.s32 $0xFFFFE000  }
0xc3: {  	[tilespmem:s20], [sflag:$0x5] =	stream.linear.gather [spmem:s12], $0x2000, $0x38;
	[tilespmem:$0x1BE00] =	vst v63  }
0xc4: {  	_ =	swait.ge [sflag:s18], $0x2000  }
0xc5: {  	[sflag:s18] =	ssyncset.done $0x0  }
0xc6: {  	[sflag:s18] =	ssyncadd.s32 $0xFFFFE000  }
0xc7: {  	[hbm4b:s16+s3] =	stream.linear.scatter [tilespmem:s20], [sflag:$0x5], $0x2000, $0x38;
	[tilespmem:$0x1BE00] =	vst v63  }
0xc8: {  	_ =	swait.ge [sflag:s18], $0x2000  }
0xc9: {  	[sflag:s18] =	ssyncset.done $0x0  }
0xca: {  	[sflag:s18] =	ssyncadd.s32 $0xFFFFE000  }
0xcb: {  	[tilespmem:s20], [sflag:$0x5] =	stream.linear.gather [spmem:s13], $0x2000, $0x38;
	[tilespmem:$0x1BE00] =	vst v63  }
0xcc: {  	_ =	swait.ge [sflag:s18], $0x2000  }
0xcd: {  	[sflag:s18] =	ssyncset.done $0x0  }
0xce: {  	[sflag:s18] =	ssyncadd.s32 $0xFFFFE000  }
0xcf: {  	[hbm4b:s17+s3] =	stream.linear.scatter [tilespmem:s20], [sflag:$0x5], $0x2000, $0x38;
	[tilespmem:$0x1BE00] =	vst v63  }
0xd0: {  	_ =	swait.ge [sflag:s18], $0x2000  }
0xd1: {  	[sflag:s18] =	ssyncset.done $0x0  }
0xd2: {  	[sflag:s18] =	ssyncadd.s32 $0xFFFFE000  }
0xd3: {  	[tilespmem:s20], [sflag:$0x5] =	stream.linear.gather [spmem:s8], $0x1E00, $0x38;
	[tilespmem:$0x1BE00] =	vst v63  }
0xd4: {  	s25 =	sadd.s32 $0x1, s25;
	_ =	swait.ge [sflag:s18], $0x1E00  }
0xd5: {  	p0 =	sne.s32 s25, s10;
	[sflag:s18] =	ssyncset.done $0x0  }
.Ltmp3:
0xd6: {  	[sflag:s18] =	ssyncadd.s32 $0xFFFFE200;
	(pc) =	sbr.rel @p0 .LBB2_1-.Ltmp3, $4  }
0xd7: {  	[hbm4b:s9+s3] =	stream.linear.scatter [tilespmem:s20], [sflag:$0x5], $0x1E00, $0x38;
	[tilespmem:$0x1BE00] =	vst v63  }
0xd8: {  	_ =	swait.ge [sflag:s18], $0x1E00  }
0xd9: {  	[sflag:s18] =	ssyncset.done $0x0  }
0xda: {  	[sflag:s18] =	ssyncadd.s32 $0xFFFFE200  }
0xdb: {  	_ =	sfence.sel $0x180000  }
0xdc: {  	[bflag:$0x0] =	sbarrier.arrive $0xFFFF  }
0xdd: {  	_ =	strace $0x9000004A  }
0xde: {  	s0 =	stileid.u32;
	[bflag:$0x2] =	sbarrier.arrive $0xFFFF  }
0xdf: {  	p0 =	sne.s32 s0, $0x0;
	s0 =	rddreg [dreg:$0x2]  }
0xe0: {  	s0 =	sadd.s32 @!p0 $0x100000, s0  }
0xe1: {  	[sflag:s0] =	ssyncadd.tile.s32 @!p0 $0x1;
	_ =	shalt  }
.Lfunc_end2:
_tile_overlayer_lowered:
.L_overlay_start_2:
0xe2: {  	(tag) =	ssettag $0x2  }
0xe3: {  	s0 =	rddreg [dreg:$0x0];
	s2 =	stileid.u32  }
0xe4: {  	s1 =	rddreg [dreg:$0x1];
	p0 =	sne.s32 s2, $0x0  }
0xe5: {  	s3 =	rddreg [dreg:$0x2];
	[bflag:$0x3] =	sbarrier.arrive $0xFFFF;
	s2 =	simm.s32 @!p0 $0x1C05  }
0xe6: {  	[timem:s3], [sflag:s2] =	dma.local @!p0 [hbm:s0], s1  }
0xe7: {  	s0 =	simm.s32 @!p0 $0x5  }
0xe8: {  	_ =	swait.ge @!p0 [sflag:s0], s1  }
0xe9: {  	s1 =	ssub.s32 @!p0 $0x0, s1;
	[sflag:s0] =	ssyncset.done @!p0 $0x0  }
0xea: {  	[sflag:s0] =	ssyncadd.s32 @!p0 s1  }
0xeb: {  	[bflag:$0x3] =	sbarrier.arrive $0xFFFF  }
0xec: {  	_ =	shalt  }

</sc_bundles>
